<compile_context>
chip_gen: v7x
topology: tpu7x:2x2x1
jax: 0.10.2.dev20260603
libtpu: 0.0.44.dev20260713+nightly
codegen_flags: <defaults>
</compile_context>

<pallas_src>
import functools

import jax
import jax.numpy as jnp
from jax import lax
from jax.experimental import pallas as pl
from jax.experimental.pallas import tpu as pltpu
from jax.experimental.pallas import tpu_sc as plsc

_L = 2048
_V = 257
_D = 64
_GPAD = 4608
_SMIN = -(_L + 127)
_SMAX = 128
_SEG = 384
_SEGW = 512
_NSEG = 12
_NPH = 128
_BLO = 1536
_BHI = 2176
_BCOLS = 3 * _SEG

_NC = 2
_NS = 16
_NW = _NC * _NS
_ROWS_PER_W = _L // _NW
_CHUNK = 512
_NCHUNK = _L // _CHUNK
_NSLAB = _ROWS_PER_W * _NCHUNK
_INFLIGHT = 24


def _build_gt_segs(table):
    def seg_cols(gt_parts, a, b):
        t0, tab_t, t256 = gt_parts
        parts = []
        if a < 2048:
            parts.append(jnp.broadcast_to(t0, (_D, min(b, 2048) - a)))
        if b > 2048 and a < 2304:
            lo, hi = max(a, 2048), min(b, 2304)
            parts.append(tab_t[:, lo - 2047:hi - 2047])
        if b > 2304:
            lo = max(a, 2304)
            parts.append(jnp.broadcast_to(t256, (_D, b - lo)))
        return jnp.concatenate(parts, axis=1) if len(parts) > 1 else parts[0]

    def body(tab_ref, seg_ref, const_ref):
        eye = jnp.eye(_V, dtype=jnp.float32)
        tab_t = jax.lax.dot_general(
            tab_ref[...], eye,
            dimension_numbers=(((0,), (0,)), ((), ())),
            preferred_element_type=jnp.float32,
            precision=jax.lax.Precision.HIGHEST)
        t0 = tab_t[:, 0:1]
        t256 = tab_t[:, 256:257]
        for s in range(_NSEG):
            seg_ref[s] = seg_cols((t0, tab_t, t256), s * _SEG, s * _SEG + _SEGW)
        const_ref[0] = jnp.broadcast_to(t0, (_D, _CHUNK))
        const_ref[1] = jnp.broadcast_to(t256, (_D, _CHUNK))

    return pl.pallas_call(
        body,
        out_shape=(jax.ShapeDtypeStruct((_NSEG, _D, _SEGW), jnp.float32),
                   jax.ShapeDtypeStruct((2, _D, _CHUNK), jnp.float32)),
    )(table)


def _build_band_planes(band_segs):
    def body(seg_ref, pl_ref):
        p = pl.program_id(0)
        for s in range(3):
            shifted = pltpu.roll(seg_ref[s], -p, 1)
            pl_ref[0, :, s * _SEG:(s + 1) * _SEG] = shifted[:, :_SEG]

    return pl.pallas_call(
        body,
        grid=(_NPH,),
        in_specs=[pl.BlockSpec((3, _D, _SEGW), lambda p: (0, 0, 0))],
        out_specs=pl.BlockSpec((1, _D, _BCOLS), lambda p: (p, 0, 0)),
        out_shape=jax.ShapeDtypeStruct((_NPH, _D, _BCOLS), jnp.float32),
    )(band_segs)


_SC_EXPAND_CACHE = []


def _get_sc_expand():
    if _SC_EXPAND_CACHE:
        return _SC_EXPAND_CACHE[0]
    f = functools.partial(
        pl.kernel,
        mesh=plsc.VectorSubcoreMesh(core_axis_name="c", subcore_axis_name="s"),
        out_type=jax.ShapeDtypeStruct((_L, _D, _L), jnp.float32),
        scratch_types=[
            pltpu.VMEM((_D, _CHUNK), jnp.float32),
            pltpu.VMEM((_D, _CHUNK), jnp.float32),
            pltpu.VMEM((_D, _CHUNK), jnp.float32),
            pltpu.VMEM((16,), jnp.int32),
            pltpu.SemaphoreType.DMA,
            pltpu.SemaphoreType.DMA,
        ],
    )(_sc_expand_body)
    _SC_EXPAND_CACHE.append(f)
    return f


def _sc_expand_body(band_hbm, const_hbm, delta_hbm, out_hbm,
                    t0_buf, t256_buf, band_buf, delta_v, sem_st, sem_em):
    cid = lax.axis_index("c")
    sid = lax.axis_index("s")

    pltpu.sync_copy(delta_hbm, delta_v)
    delta = delta_v[...][0]

    pltpu.make_async_copy(const_hbm.at[0], t0_buf, sem_st).start()
    pltpu.make_async_copy(const_hbm.at[1], t256_buf, sem_st).start()
    pltpu.make_async_copy(const_hbm.at[0], t0_buf, sem_st).wait()
    pltpu.make_async_copy(const_hbm.at[1], t256_buf, sem_st).wait()

    wid = cid * _NS + sid
    base = wid * _ROWS_PER_W

    def emit_async(buf, i, cc):
        pltpu.make_async_copy(
            buf, out_hbm.at[i, :, pl.ds(cc, _CHUNK)], sem_em).start()

    def drain_one():
        pltpu.make_async_copy(
            t0_buf, out_hbm.at[base, :, pl.ds(0, _CHUNK)], sem_em).wait()

    def body(s, n_out):
        c = lax.div(s, _ROWS_PER_W)
        r = lax.rem(s, _ROWS_PER_W)
        i = base + r
        start = jnp.clip(delta - i, _SMIN, _SMAX) - _SMIN
        p = jnp.bitwise_and(start, 127)
        al = jnp.bitwise_and(start, -128) + c * _CHUNK
        cc = pl.multiple_of(c * _CHUNK, 128)

        is_t0 = al <= _BLO - _CHUNK + 384
        is_t256 = al >= _BHI + 128
        is_band = jnp.logical_not(jnp.logical_or(is_t0, is_t256))

        @pl.when(is_t0)
        def _():
            emit_async(t0_buf, i, cc)

        @pl.when(is_t256)
        def _():
            emit_async(t256_buf, i, cc)

        @pl.when(is_band)
        def _():
            bo = pl.multiple_of(al - _BLO, 128)
            pltpu.sync_copy(band_hbm.at[p, :, pl.ds(bo, _CHUNK)], band_buf)
            pltpu.sync_copy(band_buf, out_hbm.at[i, :, pl.ds(cc, _CHUNK)])

        n_out = n_out + jnp.where(is_band, 0, 1)

        @pl.when(n_out >= _INFLIGHT)
        def _():
            drain_one()

        return n_out - jnp.where(n_out >= _INFLIGHT, 1, 0)

    n_out = lax.fori_loop(0, _NSLAB, body, jnp.int32(0))

    def final_drain(k, carry):
        drain_one()
        return carry

    lax.fori_loop(0, n_out, final_drain, 0)


def kernel(length_q, length_k, embeddings_table):
    delta = (jnp.asarray(length_k, jnp.int32)
             - jnp.asarray(length_q, jnp.int32))
    delta16 = jnp.broadcast_to(delta.reshape(1), (16,))
    segs, const_slabs = _build_gt_segs(embeddings_table)
    band = _build_band_planes(segs[4:7])
    out_t = _get_sc_expand()(band, const_slabs, delta16)
    return jnp.transpose(out_t, (0, 2, 1))

# --- scband reference (transcript-rebuilt; emitter-appended) ---
"""Pipeline reference for scband-relative-position-3272765079688 (READ-ONLY COPY).

The authoritative reference and input builder live on the scoring server;
editing this copy changes nothing except your own understanding.
"""

import jax, jax.numpy as jnp
import numpy as np

MAX_REL = 128
NUM_UNITS = 64

def setup_inputs(seed: int = 0) -> dict:
    key = jax.random.key(seed)
    vocab = MAX_REL * 2 + 1
    # xavier_uniform init for the embeddings table
    limit = float(np.sqrt(6.0 / (vocab + NUM_UNITS)))
    table = jax.random.uniform(key, (vocab, NUM_UNITS), dtype=jnp.float32, minval=-limit, maxval=limit)
    return {"length_q": 2048, "length_k": 2048, "embeddings_table": table}

def reference(length_q, length_k, embeddings_table):
    LENGTH_Q_STATIC = 2048
    LENGTH_K_STATIC = 2048
    range_vec_q = jnp.arange(LENGTH_Q_STATIC) + (length_q - LENGTH_Q_STATIC)
    range_vec_k = jnp.arange(LENGTH_K_STATIC) + (length_k - LENGTH_K_STATIC)
    distance_mat = range_vec_k[None, :] - range_vec_q[:, None]
    distance_mat_clipped = jnp.clip(distance_mat, -MAX_REL, MAX_REL)
    final_mat = (distance_mat_clipped + MAX_REL).astype(jnp.int32)
    embeddings = jnp.take(embeddings_table, final_mat, axis=0)
    return embeddings

if __name__ == "__main__":
    import jax
    _d = setup_inputs()
    print(jax.jit(kernel)(*tuple(_d.values())))

</pallas_src>

<mosaic_0001>
#map = affine_map<(d0, d1) -> (0, 0, 0)>
#map1 = affine_map<(d0, d1) -> (0)>
module attributes {stable_mosaic.version = 14 : i64} {
  func.func @_sc_expand_body(%arg0: i32, %arg1: i32, %arg2: memref<128x64x1152xf32, #tpu.memory_space<hbm>>, %arg3: memref<2x64x512xf32, #tpu.memory_space<hbm>>, %arg4: memref<16xi32, #tpu.memory_space<hbm>>, %arg5: memref<2048x64x2048xf32, #tpu.memory_space<hbm>>, %arg6: memref<64x512xf32, #tpu.memory_space<vmem>>, %arg7: memref<64x512xf32, #tpu.memory_space<vmem>>, %arg8: memref<64x512xf32, #tpu.memory_space<vmem>>, %arg9: memref<16xi32, #tpu.memory_space<vmem>>, %arg10: memref<!tpu.dma_semaphore, #tpu.memory_space<semaphore_mem>>, %arg11: memref<!tpu.dma_semaphore, #tpu.memory_space<semaphore_mem>>) attributes {dimension_semantics = [#tpu.dimension_semantics<core_parallel>, #tpu.dimension_semantics<subcore_parallel>], iteration_bounds = array<i64: 2, 16>, scalar_prefetch = 0 : i64, scratch_operands = 6 : i64, tpu.core_type = #tpu.core_type<sc_vector_subcore>, window_params = [{transform_indices = #map}, {transform_indices = #map}, {transform_indices = #map1}, {transform_indices = #map}]} {
    "tpu.region"() ({
      %run_scoped3A = tpu.sem_alloc : memref<!tpu.dma_semaphore, #tpu.memory_space<semaphore_mem>>
      tpu.enqueue_dma source(%arg4 : memref<16xi32, #tpu.memory_space<hbm>>) target(%arg9 : memref<16xi32, #tpu.memory_space<vmem>>) target_semaphore(%run_scoped3A : memref<!tpu.dma_semaphore, #tpu.memory_space<semaphore_mem>>)
      tpu.wait_dma2 semaphore(%run_scoped3A : memref<!tpu.dma_semaphore, #tpu.memory_space<semaphore_mem>>) src(%arg4 : memref<16xi32, #tpu.memory_space<hbm>>) dst(%arg9 : memref<16xi32, #tpu.memory_space<vmem>>)
      tpu.yield
    }) : () -> ()
    %get3A = arith.constant 0 : index
    %get3A_0 = tpu.vector_load %arg9[%get3A] {strides = array<i32>} : memref<16xi32, #tpu.memory_space<vmem>>, vector<16xi32>,
    %get3A_1 = vector.shape_cast %get3A_0 : vector<16xi32> to vector<16xi32>
    %slice3A = vector.extract_strided_slice %get3A_1 {offsets = [0], sizes = [1], strides = [1]} : vector<16xi32> to vector<1xi32>
    %squeeze3A = vector.extract %slice3A[0] : i32 from vector<1xi32>
    %dma_start3A = arith.constant 0 : i32
    %dma_start3A_2 = arith.constant 0 : i32
    %dma_start3A_3 = arith.constant 0 : i32
    %dma_start3A_4 = tpu.memref_slice %arg3[%dma_start3A, %dma_start3A_2, %dma_start3A_3] : memref<2x64x512xf32, #tpu.memory_space<hbm>> -> memref<1x64x512xf32, #tpu.memory_space<hbm>>
    %dma_start3A_5 = tpu.memref_squeeze %dma_start3A_4 : memref<1x64x512xf32, #tpu.memory_space<hbm>> -> memref<64x512xf32, #tpu.memory_space<hbm>>
    %dma_start3A_6 = arith.constant 0 : i32
    %dma_start3A_7 = arith.constant 0 : i32
    %dma_start3A_8 = tpu.memref_slice %arg3[%dma_start3A, %dma_start3A_6, %dma_start3A_7] : memref<2x64x512xf32, #tpu.memory_space<hbm>> -> memref<1x64x512xf32, #tpu.memory_space<hbm>>
    %dma_start3A_9 = tpu.memref_squeeze %dma_start3A_8 : memref<1x64x512xf32, #tpu.memory_space<hbm>> -> memref<64x512xf32, #tpu.memory_space<hbm>>
    tpu.enqueue_dma source(%dma_start3A_9 : memref<64x512xf32, #tpu.memory_space<hbm>>) target(%arg6 : memref<64x512xf32, #tpu.memory_space<vmem>>) target_semaphore(%arg10 : memref<!tpu.dma_semaphore, #tpu.memory_space<semaphore_mem>>)
    %dma_start3A_10 = arith.constant 1 : i32
    %dma_start3A_11 = arith.constant 0 : i32
    %dma_start3A_12 = arith.constant 0 : i32
    %dma_start3A_13 = tpu.memref_slice %arg3[%dma_start3A_10, %dma_start3A_11, %dma_start3A_12] : memref<2x64x512xf32, #tpu.memory_space<hbm>> -> memref<1x64x512xf32, #tpu.memory_space<hbm>>
    %dma_start3A_14 = tpu.memref_squeeze %dma_start3A_13 : memref<1x64x512xf32, #tpu.memory_space<hbm>> -> memref<64x512xf32, #tpu.memory_space<hbm>>
    %dma_start3A_15 = arith.constant 0 : i32
    %dma_start3A_16 = arith.constant 0 : i32
    %dma_start3A_17 = tpu.memref_slice %arg3[%dma_start3A_10, %dma_start3A_15, %dma_start3A_16] : memref<2x64x512xf32, #tpu.memory_space<hbm>> -> memref<1x64x512xf32, #tpu.memory_space<hbm>>
    %dma_start3A_18 = tpu.memref_squeeze %dma_start3A_17 : memref<1x64x512xf32, #tpu.memory_space<hbm>> -> memref<64x512xf32, #tpu.memory_space<hbm>>
    tpu.enqueue_dma source(%dma_start3A_18 : memref<64x512xf32, #tpu.memory_space<hbm>>) target(%arg7 : memref<64x512xf32, #tpu.memory_space<vmem>>) target_semaphore(%arg10 : memref<!tpu.dma_semaphore, #tpu.memory_space<semaphore_mem>>)
    %dma_wait3A = arith.constant 0 : i32
    %dma_wait3A_19 = arith.constant 0 : i32
    %dma_wait3A_20 = arith.constant 0 : i32
    %dma_wait3A_21 = tpu.memref_slice %arg3[%dma_wait3A, %dma_wait3A_19, %dma_wait3A_20] : memref<2x64x512xf32, #tpu.memory_space<hbm>> -> memref<1x64x512xf32, #tpu.memory_space<hbm>>
    %dma_wait3A_22 = tpu.memref_squeeze %dma_wait3A_21 : memref<1x64x512xf32, #tpu.memory_space<hbm>> -> memref<64x512xf32, #tpu.memory_space<hbm>>
    %dma_wait3A_23 = arith.constant 0 : i32
    %dma_wait3A_24 = arith.constant 0 : i32
    %dma_wait3A_25 = tpu.memref_slice %arg3[%dma_wait3A, %dma_wait3A_23, %dma_wait3A_24] : memref<2x64x512xf32, #tpu.memory_space<hbm>> -> memref<1x64x512xf32, #tpu.memory_space<hbm>>
    %dma_wait3A_26 = tpu.memref_squeeze %dma_wait3A_25 : memref<1x64x512xf32, #tpu.memory_space<hbm>> -> memref<64x512xf32, #tpu.memory_space<hbm>>
    tpu.wait_dma2 semaphore(%arg10 : memref<!tpu.dma_semaphore, #tpu.memory_space<semaphore_mem>>) src(%dma_wait3A_26 : memref<64x512xf32, #tpu.memory_space<hbm>>) dst(%arg6 : memref<64x512xf32, #tpu.memory_space<vmem>>)
    %dma_wait3A_27 = arith.constant 1 : i32
    %dma_wait3A_28 = arith.constant 0 : i32
    %dma_wait3A_29 = arith.constant 0 : i32
    %dma_wait3A_30 = tpu.memref_slice %arg3[%dma_wait3A_27, %dma_wait3A_28, %dma_wait3A_29] : memref<2x64x512xf32, #tpu.memory_space<hbm>> -> memref<1x64x512xf32, #tpu.memory_space<hbm>>
    %dma_wait3A_31 = tpu.memref_squeeze %dma_wait3A_30 : memref<1x64x512xf32, #tpu.memory_space<hbm>> -> memref<64x512xf32, #tpu.memory_space<hbm>>
    %dma_wait3A_32 = arith.constant 0 : i32
    %dma_wait3A_33 = arith.constant 0 : i32
    %dma_wait3A_34 = tpu.memref_slice %arg3[%dma_wait3A_27, %dma_wait3A_32, %dma_wait3A_33] : memref<2x64x512xf32, #tpu.memory_space<hbm>> -> memref<1x64x512xf32, #tpu.memory_space<hbm>>
    %dma_wait3A_35 = tpu.memref_squeeze %dma_wait3A_34 : memref<1x64x512xf32, #tpu.memory_space<hbm>> -> memref<64x512xf32, #tpu.memory_space<hbm>>
    tpu.wait_dma2 semaphore(%arg10 : memref<!tpu.dma_semaphore, #tpu.memory_space<semaphore_mem>>) src(%dma_wait3A_35 : memref<64x512xf32, #tpu.memory_space<hbm>>) dst(%arg7 : memref<64x512xf32, #tpu.memory_space<vmem>>)
    %mul3A = arith.constant 16 : i32
    %mul3A_36 = arith.muli %arg0, %mul3A : i32
    %add3A = arith.addi %mul3A_36, %arg1 : i32
    %mul3A_37 = arith.constant 64 : i32
    %mul3A_38 = arith.muli %add3A, %mul3A_37 : i32
    %scan3A = arith.constant 0 : i32
    %scan3A_39 = arith.constant 0 : i32
    %scan3A_40 = arith.constant 256 : i32
    %scan3A_41 = arith.addi %scan3A_39, %scan3A_40 : i32
    %scan3A_42 = arith.constant 1 : i32
    %scan3A_43 = scf.for %scan3A_54 = %scan3A_39 to %scan3A_41 step %scan3A_42 iter_args(%scan3A_55 = %scan3A) -> (i32)  : i32 {
      %div3A = arith.constant 64 : i32
      %div3A_56 = arith.divsi %scan3A_54, %div3A : i32
      %rem3A = arith.constant 64 : i32
      %rem3A_57 = arith.remsi %scan3A_54, %rem3A : i32
      %add3A_58 = arith.addi %mul3A_38, %rem3A_57 : i32
      %sub3A = arith.subi %squeeze3A, %add3A_58 : i32
      %jit3A = arith.constant -2175 : i32
      %jit3A_59 = arith.constant 128 : i32
      %max3A = arith.maxsi %jit3A, %sub3A : i32
      %min3A = arith.minsi %jit3A_59, %max3A : i32
      %sub3A_60 = arith.constant -2175 : i32
      %sub3A_61 = arith.subi %min3A, %sub3A_60 : i32
      %and3A = arith.constant 127 : i32
      %and3A_62 = arith.andi %sub3A_61, %and3A : i32
      %and3A_63 = arith.constant -128 : i32
      %and3A_64 = arith.andi %sub3A_61, %and3A_63 : i32
      %mul3A_65 = arith.constant 512 : i32
      %mul3A_66 = arith.muli %div3A_56, %mul3A_65 : i32
      %add3A_67 = arith.addi %and3A_64, %mul3A_66 : i32
      %mul3A_68 = arith.constant 512 : i32
      %mul3A_69 = arith.muli %div3A_56, %mul3A_68 : i32
      %multiple_of3A = tpu.assume_multiple %mul3A_69, 128 : i32
      %le3A = arith.constant 1408 : i32
      %le3A_70 = arith.cmpi sle, %add3A_67, %le3A : i32
      %ge3A = arith.constant 2304 : i32
      %ge3A_71 = arith.cmpi sge, %add3A_67, %ge3A : i32
      %or3A = arith.ori %le3A_70, %ge3A_71 : i1
      %not3A = arith.constant true
      %not3A_72 = arith.xori %or3A, %not3A : i1
      %convert_element_type3A = arith.extui %le3A_70 : i1 to i32
      %cond3A = arith.constant 0 : i32
      %cond3A_73 = arith.cmpi ne, %convert_element_type3A, %cond3A : i32
      scf.if %cond3A_73 {
        %dma_start3A_94 = arith.constant 0 : i32
        %dma_start3A_95 = tpu.memref_slice %arg5[%add3A_58, %dma_start3A_94, %multiple_of3A] : memref<2048x64x2048xf32, #tpu.memory_space<hbm>> -> memref<1x64x512xf32, #tpu.memory_space<hbm>>
        %dma_start3A_96 = tpu.memref_squeeze %dma_start3A_95 : memref<1x64x512xf32, #tpu.memory_space<hbm>> -> memref<64x512xf32, #tpu.memory_space<hbm>>
        %dma_start3A_97 = arith.constant 0 : i32
        %dma_start3A_98 = tpu.memref_slice %arg5[%add3A_58, %dma_start3A_97, %multiple_of3A] : memref<2048x64x2048xf32, #tpu.memory_space<hbm>> -> memref<1x64x512xf32, #tpu.memory_space<hbm>>
        %dma_start3A_99 = tpu.memref_squeeze %dma_start3A_98 : memref<1x64x512xf32, #tpu.memory_space<hbm>> -> memref<64x512xf32, #tpu.memory_space<hbm>>
        tpu.enqueue_dma source(%arg6 : memref<64x512xf32, #tpu.memory_space<vmem>>) target(%dma_start3A_99 : memref<64x512xf32, #tpu.memory_space<hbm>>) target_semaphore(%arg11 : memref<!tpu.dma_semaphore, #tpu.memory_space<semaphore_mem>>)
      } else {
      }
      %convert_element_type3A_74 = arith.extui %ge3A_71 : i1 to i32
      %cond3A_75 = arith.constant 0 : i32
      %cond3A_76 = arith.cmpi ne, %convert_element_type3A_74, %cond3A_75 : i32
      scf.if %cond3A_76 {
        %dma_start3A_94 = arith.constant 0 : i32
        %dma_start3A_95 = tpu.memref_slice %arg5[%add3A_58, %dma_start3A_94, %multiple_of3A] : memref<2048x64x2048xf32, #tpu.memory_space<hbm>> -> memref<1x64x512xf32, #tpu.memory_space<hbm>>
        %dma_start3A_96 = tpu.memref_squeeze %dma_start3A_95 : memref<1x64x512xf32, #tpu.memory_space<hbm>> -> memref<64x512xf32, #tpu.memory_space<hbm>>
        %dma_start3A_97 = arith.constant 0 : i32
        %dma_start3A_98 = tpu.memref_slice %arg5[%add3A_58, %dma_start3A_97, %multiple_of3A] : memref<2048x64x2048xf32, #tpu.memory_space<hbm>> -> memref<1x64x512xf32, #tpu.memory_space<hbm>>
        %dma_start3A_99 = tpu.memref_squeeze %dma_start3A_98 : memref<1x64x512xf32, #tpu.memory_space<hbm>> -> memref<64x512xf32, #tpu.memory_space<hbm>>
        tpu.enqueue_dma source(%arg7 : memref<64x512xf32, #tpu.memory_space<vmem>>) target(%dma_start3A_99 : memref<64x512xf32, #tpu.memory_space<hbm>>) target_semaphore(%arg11 : memref<!tpu.dma_semaphore, #tpu.memory_space<semaphore_mem>>)
      } else {
      }
      %convert_element_type3A_77 = arith.extui %not3A_72 : i1 to i32
      %cond3A_78 = arith.constant 0 : i32
      %cond3A_79 = arith.cmpi ne, %convert_element_type3A_77, %cond3A_78 : i32
      scf.if %cond3A_79 {
        %sub3A_94 = arith.constant 1536 : i32
        %sub3A_95 = arith.subi %add3A_67, %sub3A_94 : i32
        %multiple_of3A_96 = tpu.assume_multiple %sub3A_95, 128 : i32
        "tpu.region"() ({
          %run_scoped3A = tpu.sem_alloc : memref<!tpu.dma_semaphore, #tpu.memory_space<semaphore_mem>>
          %dma_start3A_97 = arith.constant 0 : i32
          %dma_start3A_98 = tpu.memref_slice %arg2[%and3A_62, %dma_start3A_97, %multiple_of3A_96] : memref<128x64x1152xf32, #tpu.memory_space<hbm>> -> memref<1x64x512xf32, #tpu.memory_space<hbm>>
          %dma_start3A_99 = tpu.memref_squeeze %dma_start3A_98 : memref<1x64x512xf32, #tpu.memory_space<hbm>> -> memref<64x512xf32, #tpu.memory_space<hbm>>
          %dma_start3A_100 = arith.constant 0 : i32
          %dma_start3A_101 = tpu.memref_slice %arg2[%and3A_62, %dma_start3A_100, %multiple_of3A_96] : memref<128x64x1152xf32, #tpu.memory_space<hbm>> -> memref<1x64x512xf32, #tpu.memory_space<hbm>>
          %dma_start3A_102 = tpu.memref_squeeze %dma_start3A_101 : memref<1x64x512xf32, #tpu.memory_space<hbm>> -> memref<64x512xf32, #tpu.memory_space<hbm>>
          tpu.enqueue_dma source(%dma_start3A_102 : memref<64x512xf32, #tpu.memory_space<hbm>>) target(%arg8 : memref<64x512xf32, #tpu.memory_space<vmem>>) target_semaphore(%run_scoped3A : memref<!tpu.dma_semaphore, #tpu.memory_space<semaphore_mem>>)
          %dma_wait3A_103 = arith.constant 0 : i32
          %dma_wait3A_104 = tpu.memref_slice %arg2[%and3A_62, %dma_wait3A_103, %multiple_of3A_96] : memref<128x64x1152xf32, #tpu.memory_space<hbm>> -> memref<1x64x512xf32, #tpu.memory_space<hbm>>
          %dma_wait3A_105 = tpu.memref_squeeze %dma_wait3A_104 : memref<1x64x512xf32, #tpu.memory_space<hbm>> -> memref<64x512xf32, #tpu.memory_space<hbm>>
          %dma_wait3A_106 = arith.constant 0 : i32
          %dma_wait3A_107 = tpu.memref_slice %arg2[%and3A_62, %dma_wait3A_106, %multiple_of3A_96] : memref<128x64x1152xf32, #tpu.memory_space<hbm>> -> memref<1x64x512xf32, #tpu.memory_space<hbm>>
          %dma_wait3A_108 = tpu.memref_squeeze %dma_wait3A_107 : memref<1x64x512xf32, #tpu.memory_space<hbm>> -> memref<64x512xf32, #tpu.memory_space<hbm>>
          tpu.wait_dma2 semaphore(%run_scoped3A : memref<!tpu.dma_semaphore, #tpu.memory_space<semaphore_mem>>) src(%dma_wait3A_108 : memref<64x512xf32, #tpu.memory_space<hbm>>) dst(%arg8 : memref<64x512xf32, #tpu.memory_space<vmem>>)
          tpu.yield
        }) : () -> ()
        "tpu.region"() ({
          %run_scoped3A = tpu.sem_alloc : memref<!tpu.dma_semaphore, #tpu.memory_space<semaphore_mem>>
          %dma_start3A_97 = arith.constant 0 : i32
          %dma_start3A_98 = tpu.memref_slice %arg5[%add3A_58, %dma_start3A_97, %multiple_of3A] : memref<2048x64x2048xf32, #tpu.memory_space<hbm>> -> memref<1x64x512xf32, #tpu.memory_space<hbm>>
          %dma_start3A_99 = tpu.memref_squeeze %dma_start3A_98 : memref<1x64x512xf32, #tpu.memory_space<hbm>> -> memref<64x512xf32, #tpu.memory_space<hbm>>
          %dma_start3A_100 = arith.constant 0 : i32
          %dma_start3A_101 = tpu.memref_slice %arg5[%add3A_58, %dma_start3A_100, %multiple_of3A] : memref<2048x64x2048xf32, #tpu.memory_space<hbm>> -> memref<1x64x512xf32, #tpu.memory_space<hbm>>
          %dma_start3A_102 = tpu.memref_squeeze %dma_start3A_101 : memref<1x64x512xf32, #tpu.memory_space<hbm>> -> memref<64x512xf32, #tpu.memory_space<hbm>>
          tpu.enqueue_dma source(%arg8 : memref<64x512xf32, #tpu.memory_space<vmem>>) target(%dma_start3A_102 : memref<64x512xf32, #tpu.memory_space<hbm>>) target_semaphore(%run_scoped3A : memref<!tpu.dma_semaphore, #tpu.memory_space<semaphore_mem>>)
          %dma_wait3A_103 = arith.constant 0 : i32
          %dma_wait3A_104 = tpu.memref_slice %arg5[%add3A_58, %dma_wait3A_103, %multiple_of3A] : memref<2048x64x2048xf32, #tpu.memory_space<hbm>> -> memref<1x64x512xf32, #tpu.memory_space<hbm>>
          %dma_wait3A_105 = tpu.memref_squeeze %dma_wait3A_104 : memref<1x64x512xf32, #tpu.memory_space<hbm>> -> memref<64x512xf32, #tpu.memory_space<hbm>>
          %dma_wait3A_106 = arith.constant 0 : i32
          %dma_wait3A_107 = tpu.memref_slice %arg5[%add3A_58, %dma_wait3A_106, %multiple_of3A] : memref<2048x64x2048xf32, #tpu.memory_space<hbm>> -> memref<1x64x512xf32, #tpu.memory_space<hbm>>
          %dma_wait3A_108 = tpu.memref_squeeze %dma_wait3A_107 : memref<1x64x512xf32, #tpu.memory_space<hbm>> -> memref<64x512xf32, #tpu.memory_space<hbm>>
          tpu.wait_dma2 semaphore(%run_scoped3A : memref<!tpu.dma_semaphore, #tpu.memory_space<semaphore_mem>>) src(%arg8 : memref<64x512xf32, #tpu.memory_space<vmem>>) dst(%dma_wait3A_108 : memref<64x512xf32, #tpu.memory_space<hbm>>)
          tpu.yield
        }) : () -> ()
      } else {
      }
      %jit3A_80 = arith.constant 0 : i32
      %jit3A_81 = arith.constant 1 : i32
      %select_n3A = arith.select %not3A_72, %jit3A_80, %jit3A_81 : i32
      %add3A_82 = arith.addi %scan3A_55, %select_n3A : i32
      %ge3A_83 = arith.constant 24 : i32
      %ge3A_84 = arith.cmpi sge, %add3A_82, %ge3A_83 : i32
      %convert_element_type3A_85 = arith.extui %ge3A_84 : i1 to i32
      %cond3A_86 = arith.constant 0 : i32
      %cond3A_87 = arith.cmpi ne, %convert_element_type3A_85, %cond3A_86 : i32
      scf.if %cond3A_87 {
        %dma_wait3A_94 = arith.constant 0 : i32
        %dma_wait3A_95 = arith.constant 0 : i32
        %dma_wait3A_96 = tpu.memref_slice %arg5[%mul3A_38, %dma_wait3A_94, %dma_wait3A_95] : memref<2048x64x2048xf32, #tpu.memory_space<hbm>> -> memref<1x64x512xf32, #tpu.memory_space<hbm>>
        %dma_wait3A_97 = tpu.memref_squeeze %dma_wait3A_96 : memref<1x64x512xf32, #tpu.memory_space<hbm>> -> memref<64x512xf32, #tpu.memory_space<hbm>>
        %dma_wait3A_98 = arith.constant 0 : i32
        %dma_wait3A_99 = arith.constant 0 : i32
        %dma_wait3A_100 = tpu.memref_slice %arg5[%mul3A_38, %dma_wait3A_98, %dma_wait3A_99] : memref<2048x64x2048xf32, #tpu.memory_space<hbm>> -> memref<1x64x512xf32, #tpu.memory_space<hbm>>
        %dma_wait3A_101 = tpu.memref_squeeze %dma_wait3A_100 : memref<1x64x512xf32, #tpu.memory_space<hbm>> -> memref<64x512xf32, #tpu.memory_space<hbm>>
        tpu.wait_dma2 semaphore(%arg11 : memref<!tpu.dma_semaphore, #tpu.memory_space<semaphore_mem>>) src(%arg6 : memref<64x512xf32, #tpu.memory_space<vmem>>) dst(%dma_wait3A_101 : memref<64x512xf32, #tpu.memory_space<hbm>>)
      } else {
      }
      %ge3A_88 = arith.constant 24 : i32
      %ge3A_89 = arith.cmpi sge, %add3A_82, %ge3A_88 : i32
      %jit3A_90 = arith.constant 1 : i32
      %jit3A_91 = arith.constant 0 : i32
      %select_n3A_92 = arith.select %ge3A_89, %jit3A_90, %jit3A_91 : i32
      %sub3A_93 = arith.subi %add3A_82, %select_n3A_92 : i32
      scf.yield %sub3A_93 : i32
    }
    %scan3A_44 = arith.constant 256 : i32
    %while3A = arith.constant 0 : i32
    %while3A_45 = arith.constant 0 : i32
    %while3A_46 = arith.subi %scan3A_43, %while3A_45 : i32
    %while3A_47 = arith.addi %while3A_45, %while3A_46 : i32
    %while3A_48 = arith.constant 1 : i32
    %while3A_49 = arith.divsi %while3A_46, %while3A_48 : i32
    %while3A_50 = arith.muli %while3A_49, %while3A_48 : i32
    %while3A_51 = arith.addi %while3A_45, %while3A_50 : i32
    %while3A_52 = arith.constant 1 : i32
    scf.for %while3A_54 = %while3A_45 to %while3A_51 step %while3A_52  : i32 {
      %dma_wait3A_55 = arith.constant 0 : i32
      %dma_wait3A_56 = arith.constant 0 : i32
      %dma_wait3A_57 = tpu.memref_slice %arg5[%mul3A_38, %dma_wait3A_55, %dma_wait3A_56] : memref<2048x64x2048xf32, #tpu.memory_space<hbm>> -> memref<1x64x512xf32, #tpu.memory_space<hbm>>
      %dma_wait3A_58 = tpu.memref_squeeze %dma_wait3A_57 : memref<1x64x512xf32, #tpu.memory_space<hbm>> -> memref<64x512xf32, #tpu.memory_space<hbm>>
      %dma_wait3A_59 = arith.constant 0 : i32
      %dma_wait3A_60 = arith.constant 0 : i32
      %dma_wait3A_61 = tpu.memref_slice %arg5[%mul3A_38, %dma_wait3A_59, %dma_wait3A_60] : memref<2048x64x2048xf32, #tpu.memory_space<hbm>> -> memref<1x64x512xf32, #tpu.memory_space<hbm>>
      %dma_wait3A_62 = tpu.memref_squeeze %dma_wait3A_61 : memref<1x64x512xf32, #tpu.memory_space<hbm>> -> memref<64x512xf32, #tpu.memory_space<hbm>>
      tpu.wait_dma2 semaphore(%arg11 : memref<!tpu.dma_semaphore, #tpu.memory_space<semaphore_mem>>) src(%arg6 : memref<64x512xf32, #tpu.memory_space<vmem>>) dst(%dma_wait3A_62 : memref<64x512xf32, #tpu.memory_space<hbm>>)
    }
    %while3A_53 = arith.constant 1 : i32
    scf.for %while3A_54 = %while3A_51 to %while3A_47 step %while3A_53  : i32 {
      %dma_wait3A_55 = arith.constant 0 : i32
      %dma_wait3A_56 = arith.constant 0 : i32
      %dma_wait3A_57 = tpu.memref_slice %arg5[%mul3A_38, %dma_wait3A_55, %dma_wait3A_56] : memref<2048x64x2048xf32, #tpu.memory_space<hbm>> -> memref<1x64x512xf32, #tpu.memory_space<hbm>>
      %dma_wait3A_58 = tpu.memref_squeeze %dma_wait3A_57 : memref<1x64x512xf32, #tpu.memory_space<hbm>> -> memref<64x512xf32, #tpu.memory_space<hbm>>
      %dma_wait3A_59 = arith.constant 0 : i32
      %dma_wait3A_60 = arith.constant 0 : i32
      %dma_wait3A_61 = tpu.memref_slice %arg5[%mul3A_38, %dma_wait3A_59, %dma_wait3A_60] : memref<2048x64x2048xf32, #tpu.memory_space<hbm>> -> memref<1x64x512xf32, #tpu.memory_space<hbm>>
      %dma_wait3A_62 = tpu.memref_squeeze %dma_wait3A_61 : memref<1x64x512xf32, #tpu.memory_space<hbm>> -> memref<64x512xf32, #tpu.memory_space<hbm>>
      tpu.wait_dma2 semaphore(%arg11 : memref<!tpu.dma_semaphore, #tpu.memory_space<semaphore_mem>>) src(%arg6 : memref<64x512xf32, #tpu.memory_space<vmem>>) dst(%dma_wait3A_62 : memref<64x512xf32, #tpu.memory_space<hbm>>)
    }
    return
  }
}

module attributes {stable_mosaic.version = 14 : i64} {
  func.func @body(%arg0: i32, %arg1: memref<3x64x512xf32, #tpu.memory_space<vmem>>, %arg2: memref<1x64x1152xf32, #tpu.memory_space<vmem>>) attributes {dimension_semantics = [#tpu.dimension_semantics<arbitrary>], iteration_bounds = array<i64: 128>, scalar_prefetch = 0 : i64, scratch_operands = 0 : i64, tpu.core_type = #tpu.core_type<tc>, window_params = [{pipeline_mode = #tpu.pipeline_mode<synchronous>, transform_indices = @transform_0, window_bounds = array<i64: 3, 64, 512>}, {transform_indices = @transform_1, window_bounds = array<i64: 1, 64, 1152>}]} {
    %get3A = arith.constant 0 : index
    %get3A_0 = arith.constant 0 : index
    %get3A_1 = arith.constant 0 : index
    %get3A_2 = vector.load %arg1[%get3A, %get3A_0, %get3A_1] : memref<3x64x512xf32, #tpu.memory_space<vmem>>, vector<1x64x512xf32>
    %get3A_3 = vector.shape_cast %get3A_2 : vector<1x64x512xf32> to vector<64x512xf32>
    %neg3A = arith.constant 0 : i32
    %neg3A_4 = arith.subi %neg3A, %arg0 : i32
    %roll3A = tpu.dynamic_rotate %get3A_3 by %neg3A_4 dim 1 : vector<64x512xf32>, i32 -> vector<64x512xf32>
    %slice3A = vector.extract_strided_slice %roll3A {offsets = [0, 0], sizes = [64, 384], strides = [1, 1]} : vector<64x512xf32> to vector<64x384xf32>
    %swap3A = arith.constant 0 : index
    %swap3A_5 = arith.constant 0 : index
    %swap3A_6 = arith.constant 0 : index
    %swap3A_7 = vector.load %arg2[%swap3A, %swap3A_5, %swap3A_6] : memref<1x64x1152xf32, #tpu.memory_space<vmem>>, vector<1x64x384xf32>
    %swap3A_8 = vector.shape_cast %swap3A_7 : vector<1x64x384xf32> to vector<64x384xf32>
    %swap3A_9 = vector.shape_cast %slice3A : vector<64x384xf32> to vector<1x64x384xf32>
    tpu.vector_store %arg2[%swap3A, %swap3A_5, %swap3A_6], %swap3A_9 {strides = array<i32>} : memref<1x64x1152xf32, #tpu.memory_space<vmem>>, vector<1x64x384xf32>,
    %get3A_10 = arith.constant 1 : index
    %get3A_11 = arith.constant 0 : index
    %get3A_12 = arith.constant 0 : index
    %get3A_13 = vector.load %arg1[%get3A_10, %get3A_11, %get3A_12] : memref<3x64x512xf32, #tpu.memory_space<vmem>>, vector<1x64x512xf32>
    %get3A_14 = vector.shape_cast %get3A_13 : vector<1x64x512xf32> to vector<64x512xf32>
    %neg3A_15 = arith.constant 0 : i32
    %neg3A_16 = arith.subi %neg3A_15, %arg0 : i32
    %roll3A_17 = tpu.dynamic_rotate %get3A_14 by %neg3A_16 dim 1 : vector<64x512xf32>, i32 -> vector<64x512xf32>
    %slice3A_18 = vector.extract_strided_slice %roll3A_17 {offsets = [0, 0], sizes = [64, 384], strides = [1, 1]} : vector<64x512xf32> to vector<64x384xf32>
    %swap3A_19 = arith.constant 0 : index
    %swap3A_20 = arith.constant 0 : index
    %swap3A_21 = arith.constant 384 : index
    %swap3A_22 = vector.load %arg2[%swap3A_19, %swap3A_20, %swap3A_21] : memref<1x64x1152xf32, #tpu.memory_space<vmem>>, vector<1x64x384xf32>
    %swap3A_23 = vector.shape_cast %swap3A_22 : vector<1x64x384xf32> to vector<64x384xf32>
    %swap3A_24 = vector.shape_cast %slice3A_18 : vector<64x384xf32> to vector<1x64x384xf32>
    tpu.vector_store %arg2[%swap3A_19, %swap3A_20, %swap3A_21], %swap3A_24 {strides = array<i32>} : memref<1x64x1152xf32, #tpu.memory_space<vmem>>, vector<1x64x384xf32>,
    %get3A_25 = arith.constant 2 : index
    %get3A_26 = arith.constant 0 : index
    %get3A_27 = arith.constant 0 : index
    %get3A_28 = vector.load %arg1[%get3A_25, %get3A_26, %get3A_27] : memref<3x64x512xf32, #tpu.memory_space<vmem>>, vector<1x64x512xf32>
    %get3A_29 = vector.shape_cast %get3A_28 : vector<1x64x512xf32> to vector<64x512xf32>
    %neg3A_30 = arith.constant 0 : i32
    %neg3A_31 = arith.subi %neg3A_30, %arg0 : i32
    %roll3A_32 = tpu.dynamic_rotate %get3A_29 by %neg3A_31 dim 1 : vector<64x512xf32>, i32 -> vector<64x512xf32>
    %slice3A_33 = vector.extract_strided_slice %roll3A_32 {offsets = [0, 0], sizes = [64, 384], strides = [1, 1]} : vector<64x512xf32> to vector<64x384xf32>
    %swap3A_34 = arith.constant 0 : index
    %swap3A_35 = arith.constant 0 : index
    %swap3A_36 = arith.constant 768 : index
    %swap3A_37 = vector.load %arg2[%swap3A_34, %swap3A_35, %swap3A_36] : memref<1x64x1152xf32, #tpu.memory_space<vmem>>, vector<1x64x384xf32>
    %swap3A_38 = vector.shape_cast %swap3A_37 : vector<1x64x384xf32> to vector<64x384xf32>
    %swap3A_39 = vector.shape_cast %slice3A_33 : vector<64x384xf32> to vector<1x64x384xf32>
    tpu.vector_store %arg2[%swap3A_34, %swap3A_35, %swap3A_36], %swap3A_39 {strides = array<i32>} : memref<1x64x1152xf32, #tpu.memory_space<vmem>>, vector<1x64x384xf32>,
    return
  }
  func.func @transform_0(%arg0: i32) -> (i32, i32, i32) {
    %c0_i32 = arith.constant 0 : i32
    %c0_i32_0 = arith.constant 0 : i32
    %c0_i32_1 = arith.constant 0 : i32
    %c0_i32_2 = arith.constant 0 : i32
    return %c0_i32, %c0_i32_0, %c0_i32_1 : i32, i32, i32
  }
  func.func @transform_1(%arg0: i32) -> (i32, i32, i32) {
    %c0_i32 = arith.constant 0 : i32
    %c0_i32_0 = arith.constant 0 : i32
    %c0_i32_1 = arith.constant 0 : i32
    return %arg0, %c0_i32, %c0_i32_0 : i32, i32, i32
  }
}

module attributes {stable_mosaic.version = 14 : i64} {
  func.func @body(%arg0: memref<257x64xf32, #tpu.memory_space<vmem>>, %arg1: memref<12x64x512xf32, #tpu.memory_space<vmem>>, %arg2: memref<2x64x512xf32, #tpu.memory_space<vmem>>) attributes {dimension_semantics = [], scalar_prefetch = 0 : i64, scratch_operands = 0 : i64, tpu.core_type = #tpu.core_type<tc>} {
    %iota3A = tpu.iota {dimensions = array<i32: 0>} : vector<257x257xi32>
    %iota3A_0 = tpu.iota {dimensions = array<i32: 1>} : vector<257x257xi32>
    %add3A = arith.constant 0 : i32
    %add3A_1 = vector.broadcast %add3A : i32 to vector<257x257xi32>
    %add3A_2 = arith.addi %iota3A, %add3A_1 : vector<257x257xi32>
    %eq3A = arith.cmpi eq, %add3A_2, %iota3A_0 : vector<257x257xi32>
    %convert_element_type3A = arith.extui %eq3A : vector<257x257xi1> to vector<257x257xi32>
    %convert_element_type3A_3 = arith.sitofp %convert_element_type3A : vector<257x257xi32> to vector<257x257xf32>
    %get3A = arith.constant 0 : index
    %get3A_4 = arith.constant 0 : index
    %get3A_5 = vector.load %arg0[%get3A, %get3A_4] : memref<257x64xf32, #tpu.memory_space<vmem>>, vector<257x64xf32>
    %dot_general3A = arith.constant dense<0.000000e+00> : vector<64x257xf32>
    %dot_general3A_6 = tpu.matmul %get3A_5, %convert_element_type3A_3, %dot_general3A {dimension_numbers = #tpu.dot_dimension_numbers<[0], [0], [1], [1], [0, 1, 1, 1], [], []>, precision = #tpu.contract_precision<fp32>, transpose_lhs_hint = false} : vector<257x64xf32>, vector<257x257xf32>, vector<64x257xf32> -> vector<64x257xf32>
    %slice3A = vector.extract_strided_slice %dot_general3A_6 {offsets = [0, 0], sizes = [64, 1], strides = [1, 1]} : vector<64x257xf32> to vector<64x1xf32>
    %slice3A_7 = vector.extract_strided_slice %dot_general3A_6 {offsets = [0, 256], sizes = [64, 1], strides = [1, 1]} : vector<64x257xf32> to vector<64x1xf32>
    %broadcast_in_dim3A = vector.shape_cast %slice3A : vector<64x1xf32> to vector<64x1xf32>
    %broadcast_in_dim3A_8 = vector.broadcast %broadcast_in_dim3A : vector<64x1xf32> to vector<64x512xf32>
    %swap3A = arith.constant 0 : index
    %swap3A_9 = arith.constant 0 : index
    %swap3A_10 = arith.constant 0 : index
    %swap3A_11 = vector.load %arg1[%swap3A, %swap3A_9, %swap3A_10] : memref<12x64x512xf32, #tpu.memory_space<vmem>>, vector<1x64x512xf32>
    %swap3A_12 = vector.shape_cast %swap3A_11 : vector<1x64x512xf32> to vector<64x512xf32>
    %swap3A_13 = vector.shape_cast %broadcast_in_dim3A_8 : vector<64x512xf32> to vector<1x64x512xf32>
    tpu.vector_store %arg1[%swap3A, %swap3A_9, %swap3A_10], %swap3A_13 {strides = array<i32>} : memref<12x64x512xf32, #tpu.memory_space<vmem>>, vector<1x64x512xf32>,
    %broadcast_in_dim3A_14 = vector.shape_cast %slice3A : vector<64x1xf32> to vector<64x1xf32>
    %broadcast_in_dim3A_15 = vector.broadcast %broadcast_in_dim3A_14 : vector<64x1xf32> to vector<64x512xf32>
    %swap3A_16 = arith.constant 1 : index
    %swap3A_17 = arith.constant 0 : index
    %swap3A_18 = arith.constant 0 : index
    %swap3A_19 = vector.load %arg1[%swap3A_16, %swap3A_17, %swap3A_18] : memref<12x64x512xf32, #tpu.memory_space<vmem>>, vector<1x64x512xf32>
    %swap3A_20 = vector.shape_cast %swap3A_19 : vector<1x64x512xf32> to vector<64x512xf32>
    %swap3A_21 = vector.shape_cast %broadcast_in_dim3A_15 : vector<64x512xf32> to vector<1x64x512xf32>
    tpu.vector_store %arg1[%swap3A_16, %swap3A_17, %swap3A_18], %swap3A_21 {strides = array<i32>} : memref<12x64x512xf32, #tpu.memory_space<vmem>>, vector<1x64x512xf32>,
    %broadcast_in_dim3A_22 = vector.shape_cast %slice3A : vector<64x1xf32> to vector<64x1xf32>
    %broadcast_in_dim3A_23 = vector.broadcast %broadcast_in_dim3A_22 : vector<64x1xf32> to vector<64x512xf32>
    %swap3A_24 = arith.constant 2 : index
    %swap3A_25 = arith.constant 0 : index
    %swap3A_26 = arith.constant 0 : index
    %swap3A_27 = vector.load %arg1[%swap3A_24, %swap3A_25, %swap3A_26] : memref<12x64x512xf32, #tpu.memory_space<vmem>>, vector<1x64x512xf32>
    %swap3A_28 = vector.shape_cast %swap3A_27 : vector<1x64x512xf32> to vector<64x512xf32>
    %swap3A_29 = vector.shape_cast %broadcast_in_dim3A_23 : vector<64x512xf32> to vector<1x64x512xf32>
    tpu.vector_store %arg1[%swap3A_24, %swap3A_25, %swap3A_26], %swap3A_29 {strides = array<i32>} : memref<12x64x512xf32, #tpu.memory_space<vmem>>, vector<1x64x512xf32>,
    %broadcast_in_dim3A_30 = vector.shape_cast %slice3A : vector<64x1xf32> to vector<64x1xf32>
    %broadcast_in_dim3A_31 = vector.broadcast %broadcast_in_dim3A_30 : vector<64x1xf32> to vector<64x512xf32>
    %swap3A_32 = arith.constant 3 : index
    %swap3A_33 = arith.constant 0 : index
    %swap3A_34 = arith.constant 0 : index
    %swap3A_35 = vector.load %arg1[%swap3A_32, %swap3A_33, %swap3A_34] : memref<12x64x512xf32, #tpu.memory_space<vmem>>, vector<1x64x512xf32>
    %swap3A_36 = vector.shape_cast %swap3A_35 : vector<1x64x512xf32> to vector<64x512xf32>
    %swap3A_37 = vector.shape_cast %broadcast_in_dim3A_31 : vector<64x512xf32> to vector<1x64x512xf32>
    tpu.vector_store %arg1[%swap3A_32, %swap3A_33, %swap3A_34], %swap3A_37 {strides = array<i32>} : memref<12x64x512xf32, #tpu.memory_space<vmem>>, vector<1x64x512xf32>,
    %broadcast_in_dim3A_38 = vector.shape_cast %slice3A : vector<64x1xf32> to vector<64x1xf32>
    %broadcast_in_dim3A_39 = vector.broadcast %broadcast_in_dim3A_38 : vector<64x1xf32> to vector<64x512xf32>
    %swap3A_40 = arith.constant 4 : index
    %swap3A_41 = arith.constant 0 : index
    %swap3A_42 = arith.constant 0 : index
    %swap3A_43 = vector.load %arg1[%swap3A_40, %swap3A_41, %swap3A_42] : memref<12x64x512xf32, #tpu.memory_space<vmem>>, vector<1x64x512xf32>
    %swap3A_44 = vector.shape_cast %swap3A_43 : vector<1x64x512xf32> to vector<64x512xf32>
    %swap3A_45 = vector.shape_cast %broadcast_in_dim3A_39 : vector<64x512xf32> to vector<1x64x512xf32>
    tpu.vector_store %arg1[%swap3A_40, %swap3A_41, %swap3A_42], %swap3A_45 {strides = array<i32>} : memref<12x64x512xf32, #tpu.memory_space<vmem>>, vector<1x64x512xf32>,
    %broadcast_in_dim3A_46 = vector.shape_cast %slice3A : vector<64x1xf32> to vector<64x1xf32>
    %broadcast_in_dim3A_47 = vector.broadcast %broadcast_in_dim3A_46 : vector<64x1xf32> to vector<64x128xf32>
    %slice3A_48 = vector.extract_strided_slice %dot_general3A_6 {offsets = [0, 1], sizes = [64, 256], strides = [1, 1]} : vector<64x257xf32> to vector<64x256xf32>
    %broadcast_in_dim3A_49 = vector.shape_cast %slice3A_7 : vector<64x1xf32> to vector<64x1xf32>
    %broadcast_in_dim3A_50 = vector.broadcast %broadcast_in_dim3A_49 : vector<64x1xf32> to vector<64x128xf32>
    %concatenate3A = tpu.concatenate %broadcast_in_dim3A_47, %slice3A_48, %broadcast_in_dim3A_50 in 1 : vector<64x128xf32>, vector<64x256xf32>, vector<64x128xf32> -> vector<64x512xf32>
    %swap3A_51 = arith.constant 5 : index
    %swap3A_52 = arith.constant 0 : index
    %swap3A_53 = arith.constant 0 : index
    %swap3A_54 = vector.load %arg1[%swap3A_51, %swap3A_52, %swap3A_53] : memref<12x64x512xf32, #tpu.memory_space<vmem>>, vector<1x64x512xf32>
    %swap3A_55 = vector.shape_cast %swap3A_54 : vector<1x64x512xf32> to vector<64x512xf32>
    %swap3A_56 = vector.shape_cast %concatenate3A : vector<64x512xf32> to vector<1x64x512xf32>
    tpu.vector_store %arg1[%swap3A_51, %swap3A_52, %swap3A_53], %swap3A_56 {strides = array<i32>} : memref<12x64x512xf32, #tpu.memory_space<vmem>>, vector<1x64x512xf32>,
    %broadcast_in_dim3A_57 = vector.shape_cast %slice3A_7 : vector<64x1xf32> to vector<64x1xf32>
    %broadcast_in_dim3A_58 = vector.broadcast %broadcast_in_dim3A_57 : vector<64x1xf32> to vector<64x512xf32>
    %swap3A_59 = arith.constant 6 : index
    %swap3A_60 = arith.constant 0 : index
    %swap3A_61 = arith.constant 0 : index
    %swap3A_62 = vector.load %arg1[%swap3A_59, %swap3A_60, %swap3A_61] : memref<12x64x512xf32, #tpu.memory_space<vmem>>, vector<1x64x512xf32>
    %swap3A_63 = vector.shape_cast %swap3A_62 : vector<1x64x512xf32> to vector<64x512xf32>
    %swap3A_64 = vector.shape_cast %broadcast_in_dim3A_58 : vector<64x512xf32> to vector<1x64x512xf32>
    tpu.vector_store %arg1[%swap3A_59, %swap3A_60, %swap3A_61], %swap3A_64 {strides = array<i32>} : memref<12x64x512xf32, #tpu.memory_space<vmem>>, vector<1x64x512xf32>,
    %broadcast_in_dim3A_65 = vector.shape_cast %slice3A_7 : vector<64x1xf32> to vector<64x1xf32>
    %broadcast_in_dim3A_66 = vector.broadcast %broadcast_in_dim3A_65 : vector<64x1xf32> to vector<64x512xf32>
    %swap3A_67 = arith.constant 7 : index
    %swap3A_68 = arith.constant 0 : index
    %swap3A_69 = arith.constant 0 : index
    %swap3A_70 = vector.load %arg1[%swap3A_67, %swap3A_68, %swap3A_69] : memref<12x64x512xf32, #tpu.memory_space<vmem>>, vector<1x64x512xf32>
    %swap3A_71 = vector.shape_cast %swap3A_70 : vector<1x64x512xf32> to vector<64x512xf32>
    %swap3A_72 = vector.shape_cast %broadcast_in_dim3A_66 : vector<64x512xf32> to vector<1x64x512xf32>
    tpu.vector_store %arg1[%swap3A_67, %swap3A_68, %swap3A_69], %swap3A_72 {strides = array<i32>} : memref<12x64x512xf32, #tpu.memory_space<vmem>>, vector<1x64x512xf32>,
    %broadcast_in_dim3A_73 = vector.shape_cast %slice3A_7 : vector<64x1xf32> to vector<64x1xf32>
    %broadcast_in_dim3A_74 = vector.broadcast %broadcast_in_dim3A_73 : vector<64x1xf32> to vector<64x512xf32>
    %swap3A_75 = arith.constant 8 : index
    %swap3A_76 = arith.constant 0 : index
    %swap3A_77 = arith.constant 0 : index
    %swap3A_78 = vector.load %arg1[%swap3A_75, %swap3A_76, %swap3A_77] : memref<12x64x512xf32, #tpu.memory_space<vmem>>, vector<1x64x512xf32>
    %swap3A_79 = vector.shape_cast %swap3A_78 : vector<1x64x512xf32> to vector<64x512xf32>
    %swap3A_80 = vector.shape_cast %broadcast_in_dim3A_74 : vector<64x512xf32> to vector<1x64x512xf32>
    tpu.vector_store %arg1[%swap3A_75, %swap3A_76, %swap3A_77], %swap3A_80 {strides = array<i32>} : memref<12x64x512xf32, #tpu.memory_space<vmem>>, vector<1x64x512xf32>,
    %broadcast_in_dim3A_81 = vector.shape_cast %slice3A_7 : vector<64x1xf32> to vector<64x1xf32>
    %broadcast_in_dim3A_82 = vector.broadcast %broadcast_in_dim3A_81 : vector<64x1xf32> to vector<64x512xf32>
    %swap3A_83 = arith.constant 9 : index
    %swap3A_84 = arith.constant 0 : index
    %swap3A_85 = arith.constant 0 : index
    %swap3A_86 = vector.load %arg1[%swap3A_83, %swap3A_84, %swap3A_85] : memref<12x64x512xf32, #tpu.memory_space<vmem>>, vector<1x64x512xf32>
    %swap3A_87 = vector.shape_cast %swap3A_86 : vector<1x64x512xf32> to vector<64x512xf32>
    %swap3A_88 = vector.shape_cast %broadcast_in_dim3A_82 : vector<64x512xf32> to vector<1x64x512xf32>
    tpu.vector_store %arg1[%swap3A_83, %swap3A_84, %swap3A_85], %swap3A_88 {strides = array<i32>} : memref<12x64x512xf32, #tpu.memory_space<vmem>>, vector<1x64x512xf32>,
    %broadcast_in_dim3A_89 = vector.shape_cast %slice3A_7 : vector<64x1xf32> to vector<64x1xf32>
    %broadcast_in_dim3A_90 = vector.broadcast %broadcast_in_dim3A_89 : vector<64x1xf32> to vector<64x512xf32>
    %swap3A_91 = arith.constant 10 : index
    %swap3A_92 = arith.constant 0 : index
    %swap3A_93 = arith.constant 0 : index
    %swap3A_94 = vector.load %arg1[%swap3A_91, %swap3A_92, %swap3A_93] : memref<12x64x512xf32, #tpu.memory_space<vmem>>, vector<1x64x512xf32>
    %swap3A_95 = vector.shape_cast %swap3A_94 : vector<1x64x512xf32> to vector<64x512xf32>
    %swap3A_96 = vector.shape_cast %broadcast_in_dim3A_90 : vector<64x512xf32> to vector<1x64x512xf32>
    tpu.vector_store %arg1[%swap3A_91, %swap3A_92, %swap3A_93], %swap3A_96 {strides = array<i32>} : memref<12x64x512xf32, #tpu.memory_space<vmem>>, vector<1x64x512xf32>,
    %broadcast_in_dim3A_97 = vector.shape_cast %slice3A_7 : vector<64x1xf32> to vector<64x1xf32>
    %broadcast_in_dim3A_98 = vector.broadcast %broadcast_in_dim3A_97 : vector<64x1xf32> to vector<64x512xf32>
    %swap3A_99 = arith.constant 11 : index
    %swap3A_100 = arith.constant 0 : index
    %swap3A_101 = arith.constant 0 : index
    %swap3A_102 = vector.load %arg1[%swap3A_99, %swap3A_100, %swap3A_101] : memref<12x64x512xf32, #tpu.memory_space<vmem>>, vector<1x64x512xf32>
    %swap3A_103 = vector.shape_cast %swap3A_102 : vector<1x64x512xf32> to vector<64x512xf32>
    %swap3A_104 = vector.shape_cast %broadcast_in_dim3A_98 : vector<64x512xf32> to vector<1x64x512xf32>
    tpu.vector_store %arg1[%swap3A_99, %swap3A_100, %swap3A_101], %swap3A_104 {strides = array<i32>} : memref<12x64x512xf32, #tpu.memory_space<vmem>>, vector<1x64x512xf32>,
    %broadcast_in_dim3A_105 = vector.shape_cast %slice3A : vector<64x1xf32> to vector<64x1xf32>
    %broadcast_in_dim3A_106 = vector.broadcast %broadcast_in_dim3A_105 : vector<64x1xf32> to vector<64x512xf32>
    %swap3A_107 = arith.constant 0 : index
    %swap3A_108 = arith.constant 0 : index
    %swap3A_109 = arith.constant 0 : index
    %swap3A_110 = vector.load %arg2[%swap3A_107, %swap3A_108, %swap3A_109] : memref<2x64x512xf32, #tpu.memory_space<vmem>>, vector<1x64x512xf32>
    %swap3A_111 = vector.shape_cast %swap3A_110 : vector<1x64x512xf32> to vector<64x512xf32>
    %swap3A_112 = vector.shape_cast %broadcast_in_dim3A_106 : vector<64x512xf32> to vector<1x64x512xf32>
    tpu.vector_store %arg2[%swap3A_107, %swap3A_108, %swap3A_109], %swap3A_112 {strides = array<i32>} : memref<2x64x512xf32, #tpu.memory_space<vmem>>, vector<1x64x512xf32>,
    %broadcast_in_dim3A_113 = vector.shape_cast %slice3A_7 : vector<64x1xf32> to vector<64x1xf32>
    %broadcast_in_dim3A_114 = vector.broadcast %broadcast_in_dim3A_113 : vector<64x1xf32> to vector<64x512xf32>
    %swap3A_115 = arith.constant 1 : index
    %swap3A_116 = arith.constant 0 : index
    %swap3A_117 = arith.constant 0 : index
    %swap3A_118 = vector.load %arg2[%swap3A_115, %swap3A_116, %swap3A_117] : memref<2x64x512xf32, #tpu.memory_space<vmem>>, vector<1x64x512xf32>
    %swap3A_119 = vector.shape_cast %swap3A_118 : vector<1x64x512xf32> to vector<64x512xf32>
    %swap3A_120 = vector.shape_cast %broadcast_in_dim3A_114 : vector<64x512xf32> to vector<1x64x512xf32>
    tpu.vector_store %arg2[%swap3A_115, %swap3A_116, %swap3A_117], %swap3A_120 {strides = array<i32>} : memref<2x64x512xf32, #tpu.memory_space<vmem>>, vector<1x64x512xf32>,
    return
  }
}

</mosaic_0001>

<sc_bundles>
// kernel: kernel.5.cloned.1.call-start
scs
__scs_entry_jumppad:
0x0: {  	(pc) =	sbr.rel $0x88, $3  }
0x1: {  	(tag) =	ssettag $0x0;
	lr =	simm.s32 $0x1  }
0x2: {  	[smem:$0x3F9E] =	sst lr;
	_ =	strace $0xD0000000  }
0x3: {  	_ = 	snop  }
0x4: {  	_ = 	snop  }
0x5: {  	_ = 	snop  }
0x6: {  	_ = 	snop  }
0x7: {  	_ = 	snop  }
__scs_overlays_trampoline_lowered:
0x8: {  	[smem:$0x3FAD] =	sst s0  }
0x9: {  	[smem:$0x3FAE] =	sst s1  }
0xa: {  	[smem:$0x3FAF] =	sst s2  }
0xb: {  	[smem:$0x3FB0] =	sst s3  }
0xc: {  	[smem:$0x3FB1] =	sst s4  }
0xd: {  	[smem:$0x3FB2] =	sst s5  }
0xe: {  	[smem:$0x3FB3] =	sst s6  }
0xf: {  	[smem:$0x3FB4] =	sst s7  }
0x10: {  	[smem:$0x3FB5] =	sst s8  }
0x11: {  	[smem:$0x3FB6] =	sst s9;
	s0 =	simm.s32 @!p0 $0x0  }
0x12: {  	s1 =	sld [smem:$0x3F9C];
	s0 =	simm.s32 @p0 $0x1  }
0x13: {  	[smem:$0x3FB7] =	sst s0;
	s0 =	simm.s32 @!p1 $0x0  }
0x14: {  	s2 =	sld [smem:$0x3F9B];
	s0 =	simm.s32 @p1 $0x1  }
0x15: {  	[smem:$0x3FB8] =	sst s0;
	s0 =	simm.s32 @!p2 $0x0  }
0x16: {  	s3 =	sld [smem:$0x3FDB];
	s0 =	simm.s32 @p2 $0x1  }
0x17: {  	s4 =	simm.s32 $0x1BF5;
	[smem:$0x3FBA] =	sst s0  }
0x18: {  	s0 =	sld [smem:$0x3F9D];
	_ =	swait.ge [sflag:s4], $0x0  }
0x19: {  	s7 =	sld [smem:$0x3F9E]  }
0x1a: {  	s8 =	sadd.s32 $0xFFFFE003, lr  }
0x1b: {  	s9 =	sadd.s32 $0xFFFFFEF7, lr;
	s5 =	simm.s32 $0xFFFFFFFF;
	p2 =	slt.u32 s8, $0xFFFFF086  }
0x1c: {  	p1 =	slt.u32 s9, $0xF7A;
	s5 =	simm.s32 @!p2 $0x0  }
0x1d: {  	s5 =	simm.s32 @p1 $0x1;
	p0 =	seq.s32 s7, s2  }
0x1e: {  	s7 =	smul.u32 @!p0 $0xF7A, s2;
	p2 =	seq.s32 @!p0 s5, $0x0  }
0x1f: {  	s9 =	smul.u32 $0xF7A, s1;
	s8 =	simm.s32 @!p0 $0x1BF5;
	p2 =	por !p2, p0  }
0x20: {  	[sflag:s8] =	ssyncset.s32 @!p0 $0xFFFFF086;
	s6 =	sadd.s32 @!p0 s3, s7;
	s7 =	simm.s32 @!p0 $0x108  }
0x21: {  	s3 =	sadd.s32 s3, s9;
	s6 =	sadd.s32 @!p0 $0x88, s6;
	s7 =	simm.s32 @p2 $0x1082  }
0x22: {  	[simem:s7], [sflag:s8] =	dma.local @!p0 [hbm:s6], $0xF7A  }
0x23: {  	s9 =	sor.u32 $0xD0000000, s2;
	s6 =	simm.s32 $0x108;
	_ =	swait.ge @!p0 [sflag:s8], $0x0  }
0x24: {  	s3 =	sadd.s32 $0x88, s3;
	s6 =	simm.s32 @!p1 $0x1082;
	[sflag:s4] =	ssyncset.s32 $0xFFFFF086  }
0x25: {  	[simem:s6], [sflag:s4] =	dma.local [hbm:s3], $0xF7A  }
0x26: {  	[smem:$0x3F9E] =	sst s1;
	(tag) =	ssettag s2;
	_ =	strace s9  }
0x27: {  	s1 =	sld [smem:$0x3FAE]  }
0x28: {  	s2 =	sld [smem:$0x3FAF]  }
0x29: {  	s4 =	sld [smem:$0x3FB1]  }
0x2a: {  	p0 =	seq.s32 s5, $0x0;
	s5 =	sld [smem:$0x3FB2]  }
0x2b: {  	s6 =	sld [smem:$0x3FB3]  }
0x2c: {  	s7 =	sld [smem:$0x3FB4]  }
0x2d: {  	s3 =	simm.s32 $0x108;
	s8 =	sld [smem:$0x3FB5]  }
0x2e: {  	s3 =	simm.s32 @!p0 $0x1082;
	s9 =	sld [smem:$0x3FB6]  }
0x2f: {  	lr =	sadd.s32 s0, s3;
	s0 =	sld [smem:$0x3FAD]  }
0x30: {  	s3 =	sld [smem:$0x3FB0]  }
0x31: {  	[smem:$0x3FB9] =	sst s10  }
0x32: {  	s10 =	sld [smem:$0x3FB7];
	_ =	sdelay $0x3  }
0x33: {  	p0 =	seq.s32 s10, $0x1;
	s10 =	sld [smem:$0x3FB9];
	_ =	sdelay $0x3  }
0x34: {  	[smem:$0x3FB9] =	sst s10  }
0x35: {  	s10 =	sld [smem:$0x3FB8];
	_ =	sdelay $0x3  }
0x36: {  	p1 =	seq.s32 s10, $0x1;
	s10 =	sld [smem:$0x3FB9];
	_ =	sdelay $0x3  }
0x37: {  	[smem:$0x3FB9] =	sst s10  }
0x38: {  	s10 =	sld [smem:$0x3FBA]  }
0x39: {  	_ = 	snop;
	(pc) =	sbr.ind lr, $3  }
0x3a: {  	_ = 	snop  }
0x3b: {  	_ = 	snop  }
0x3c: {  	p2 =	seq.s32 s10, $0x1;
	s10 =	sld [smem:$0x3FB9]  }
0x3d: {  	_ =	shalt  }
0x3e: {  	_ =	shalt  }
0x3f: {  	_ =	shalt  }
0x40: {  	_ =	shalt  }
0x41: {  	_ =	shalt  }
0x42: {  	_ =	shalt  }
0x43: {  	_ =	shalt  }
0x44: {  	_ =	shalt  }
0x45: {  	_ =	shalt  }
0x46: {  	_ =	shalt  }
0x47: {  	_ =	shalt  }
0x48: {  	_ =	shalt  }
0x49: {  	_ =	shalt  }
0x4a: {  	_ =	shalt  }
0x4b: {  	_ =	shalt  }
0x4c: {  	_ =	shalt  }
0x4d: {  	_ =	shalt  }
0x4e: {  	_ =	shalt  }
0x4f: {  	_ =	shalt  }
0x50: {  	_ =	shalt  }
0x51: {  	_ =	shalt  }
0x52: {  	_ =	shalt  }
0x53: {  	_ =	shalt  }
0x54: {  	_ =	shalt  }
0x55: {  	_ =	shalt  }
0x56: {  	_ =	shalt  }
0x57: {  	_ =	shalt  }
0x58: {  	_ =	shalt  }
0x59: {  	_ =	shalt  }
0x5a: {  	_ =	shalt  }
0x5b: {  	_ =	shalt  }
0x5c: {  	_ =	shalt  }
0x5d: {  	_ =	shalt  }
0x5e: {  	_ =	shalt  }
0x5f: {  	_ =	shalt  }
0x60: {  	_ =	shalt  }
0x61: {  	_ =	shalt  }
0x62: {  	_ =	shalt  }
0x63: {  	_ =	shalt  }
0x64: {  	_ =	shalt  }
0x65: {  	_ =	shalt  }
0x66: {  	_ =	shalt  }
0x67: {  	_ =	shalt  }
0x68: {  	_ =	shalt  }
0x69: {  	_ =	shalt  }
0x6a: {  	_ =	shalt  }
0x6b: {  	_ =	shalt  }
0x6c: {  	_ =	shalt  }
0x6d: {  	_ =	shalt  }
0x6e: {  	_ =	shalt  }
0x6f: {  	_ =	shalt  }
0x70: {  	_ =	shalt  }
0x71: {  	_ =	shalt  }
0x72: {  	_ =	shalt  }
0x73: {  	_ =	shalt  }
0x74: {  	_ =	shalt  }
0x75: {  	_ =	shalt  }
0x76: {  	_ =	shalt  }
0x77: {  	_ =	shalt  }
0x78: {  	_ =	shalt  }
0x79: {  	_ =	shalt  }
0x7a: {  	_ =	shalt  }
0x7b: {  	_ =	shalt  }
0x7c: {  	_ =	shalt  }
0x7d: {  	_ =	shalt  }
0x7e: {  	_ =	shalt  }
0x7f: {  	_ =	shalt  }
0x80: {  	_ =	shalt  }
0x81: {  	_ =	shalt  }
0x82: {  	_ =	shalt  }
0x83: {  	_ =	shalt  }
0x84: {  	_ =	shalt  }
0x85: {  	_ =	shalt  }
0x86: {  	_ =	shalt  }
0x87: {  	_ =	shalt  }
.Lfunc_end0:
.L_simem_size_0:
called_computation_lowered:
.L_overlay_start_0:
0x88: {  	s2 =	sld [smem:$0x3FD9]  }
0x89: {  	s3 =	sld [smem:$0x3FFE];
	_ =	sdelay $0x1  }
0x8a: {  	s1 =	srdreg.scid  }
0x8b: {  	s0 =	sand.u32 $0x1, s1  }
0x8c: {  	s17 =	sshll.u32 s0, $0xA;
	s2 =	sadd.s32 s3, s2  }
0x8d: {  	s2 =	sadd.s32 s2, s17  }
0x8e: {  	[smem:$0x3FC5] =	sst s2  }
0x8f: {  	_ = 	snop  }
0x90: {  	s2 =	sld [smem:$0x3FD0];
	(tm) =	ssettm $0x1  }
0x91: {  	s18 =	sld [smem:$0x3FFB];
	_ =	sdelay $0x3  }
0x92: {  	_ =	strace s18  }
0x93: {  	s3 =	sld [smem:$0x3FFC];
	_ =	sdelay $0x3  }
0x94: {  	_ =	strace s3  }
0x95: {  	s3 =	sld [smem:$0x3FFD];
	_ =	sdelay $0x3  }
0x96: {  	_ =	strace s3  }
0x97: {  	_ =	strace $0x8FFFFFFF  }
0x98: {  	s19 =	sld [smem:$0x3FDB];
	_ =	sdelay $0x1  }
0x99: {  	s4 =	simm.s32 $_scs_section_size  }
0x9a: {  	s5 =	simm.s32 $_size__tile_overlayer_lowered;
	s6 =	simm.s32 $_tile_overlayer_lowered  }
0x9b: {  	s22 =	simm.s32 $0x1BFF;
	s21 =	sshll.u32 s6, $0x1;
	s3 =	sadd.s32 s4, s19  }
0x9c: {  	s7 =	simm.s32 $0x0;
	s20 =	sshll.u32 s5, $0x1;
	s5 =	sadd.s32 s21, s3  }
0x9d: {  	[timem:s7], [sflag:s22] =	dma.local [hbm:s5], s20  }
0x9e: {  	_ =	swait.ge [sflag:s22], s20  }
0x9f: {  	s4 =	ssub.s32 $0x0, s20;
	[sflag:s22] =	ssyncset.done $0x0  }
0xa0: {  	[sflag:s22] =	ssyncadd.s32 s4;
	_ =	sdelay $0x1  }
0xa1: {  	s23 =	simm.s32 $0x1B8B  }
0xa2: {  	_ =	swait.ge [sflag:s23], $0x1  }
0xa3: {  	[sflag:s23] =	ssyncset.done $0x0  }
0xa4: {  	s25 =	simm.s32 $0x1B8E;
	s24 =	sld [smem:$0x3FFE];
	[sflag:s23] =	ssyncadd.s32 $0xFFFFFFFF  }
0xa5: {  	s26 =	simm.s32 $execute0_lowered;
	[smem:$0x3FD2] =	sst s25  }
0xa6: {  	s5 =	sshll.u32 s26, $0x1;
	_ =	strace $0x80000046;
	[dreg:$0x1] =	wrdreg $0xFFFFFFFF  }
0xa7: {  	s28 =	simm.s32 $_size_execute0_lowered;
	s3 =	sadd.s32 s3, s5;
	[dreg:$0x0] =	wrdreg $0x0  }
0xa8: {  	s5 =	sshll.u32 s28, $0x1;
	[dreg:$0x2] =	wrdreg s3  }
0xa9: {  	[dreg:$0x3] =	wrdreg s5  }
0xaa: {  	[dreg:$0x4] =	wrdreg $0xC0  }
0xab: {  	_ =	task [dreg:s7], $0x5FFFF  }
0xac: {  	[dreg:$0x1] =	wrdreg $0xFFFFFFFF  }
0xad: {  	[dreg:$0x0] =	wrdreg $0x60  }
0xae: {  	[dreg:$0x2] =	wrdreg s24  }
0xaf: {  	[dreg:$0x3] =	wrdreg s2  }
0xb0: {  	[dreg:$0x4] =	wrdreg $0x9  }
0xb1: {  	_ =	task.clear_ibuf [dreg:s7], $0x5FFFF;
	_ =	strace $0x90000046  }
0xb2: {  	s29 =	simm.s32 $0x9;
	_ =	strace $0x80000048  }
0xb3: {  	_ =	swait.ge [sflag:s29], $0x1  }
0xb4: {  	[sflag:s29] =	ssyncadd.s32 $0xFFFFFFFF  }
0xb5: {  	_ =	strace $0x90000048  }
0xb6: {  	_ =	sfence  }
0xb7: {  	s30 =	sld [smem:$0x0];
	_ =	sdelay $0x2  }
0xb8: {  	s31 =	sshll.u32 s1, $0xD;
	s1 =	sshrl.u32 s1, $0x2  }
0xb9: {  	s3 =	sand.u32 $0x4000, s31;
	s1 =	sadd.s32 s1, s30  }
0xba: {  	s0 =	sor.u32 s3, s0;
	s1 =	sshll.u32 s1, $0x11  }
0xbb: {  	s0 =	sor.u32 s1, s0  }
0xbc: {  	s0 =	sadd.s32 $0x8F2B, s0  }
0xbd: {  	[sflag:s0] =	ssyncadd.remote.s32 $0x1  }
0xbe: {  	_ =	sfence.sel $0xFFFF  }
0xbf: {  	[dreg:$0x0] =	wrdreg $0xFFFFFFFF;
	(pc) =	sbr.abs _section_cstart, $3  }
0xc0: {  	[dreg:$0x1] =	wrdreg $0xFFFFFFFF  }
0xc1: {  	_ =	task.clear_ibuf [dreg:s7], $0x2FFFF;
	_ =	strace $0x9FFFFFFF  }
0xc2: {  	(tm) =	ssettm $0x7FFFFFFF  }
0xc3: {  	_ =	shalt  }
tec
execute0_lowered:
.L_overlay_start_1:
0x0: {  	(tag) =	ssettag $0x1  }
0x1: {  	s6 =	rddreg [dreg:$0x0]  }
0x2: {  	s1 =	rddreg [dreg:$0x1]  }
0x3: {  	s0 =	rddreg [dreg:$0x2];
	s2 =	simm.s32 $0x0;
	s4 =	srdreg.scid  }
0x4: {  	s11 =	simm.s32 $0x1;
	s12 =	simm.s32 $0x2;
	s13 =	simm.s32 $0x0  }
0x5: {  	[smem:$0x7FF] =	sst s2;
	s3 =	sadd.s32 $0x2800, s6;
	s5 =	sand.u32 $0x1, s4  }
0x6: {  	s4 =	sadd.s32 $0x800, s6;
	_ =	strace $0x80000047;
	[dreg:$0x5] =	wrdreg s3  }
.Ltmp0:
0x7: {  	s3 =	stileid.u32;
	s7 =	ssub.s32 $0x2, s5;
	(pc) =	sbr.rel .LBB2_1-.Ltmp0, $4  }
0x8: {  	s9 =	sshll.u32 s5, $0xA;
	s5 =	sadd.s32 $0x122800, s6;
	s8 =	sshrl.u32 s7, $0x1  }
0x9: {  	s6 =	sadd.s32 $0x1800, s6;
	s10 =	sshll.u32 s3, $0x6;
	s7 =	ssub.s32 s7, s8  }
0xa: {  	s31 =	sor.u32 s10, s9;
	s8 =	simm.s32 $0x18000;
	s9 =	simm.s32 $0x3  }
0xb: {  	s10 =	simm.s32 $0x8000;
	[dreg:$0x3] =	wrdreg s31;
	s7 =	smax.u32 s7, $0x1  }
.LBB2_6:
0xc: {  	[sflag:s12] =	ssyncadd.s32 $0xFFFF8000  }
.LBB2_7:
0xd: {  	s13 =	sadd.s32 $0x1, s13  }
0xe: {  	p0 =	sne.s32 s13, s7  }
.Ltmp1:
0xf: {  	_ = 	snop;
	(pc) =	sbr.rel @!p0 .LBB2_8-.Ltmp1, $1  }
0x10: {  	_ =	sdelay $0x3  }
.LBB2_1:
0x11: {  	[tilespmem:s8], [sflag:$0x3] =	stream.linear.gather [hbm4b:s5+s2], $0x80, $0x38;
	[tilespmem:$0x18080] =	vst v63  }
0x12: {  	_ =	swait.ge [sflag:s9], $0x80  }
0x13: {  	[sflag:s9] =	ssyncset.done $0x0  }
0x14: {  	[sflag:s9] =	ssyncadd.s32 $0xFFFFFF80  }
0x15: {  	v0 =	vld [tilespmem:$0x18000];
	_ =	sdelay $0x4  }
0x16: {  	(v2sf) =	vpush v0, $0x0;
	_ =	sdelay $0xb  }
0x17: {  	[tilespmem:s2], [sflag:$0x1] =	stream.linear.gather [hbm4b:s4+s2], $0x8000, $0x38;
	[tilespmem:$0x18080] =	vst v63  }
0x18: {  	_ = 	snop  }
0x19: {  	[tilespmem:s10], [sflag:$0x1] =	stream.linear.gather [hbm4b:s6+s2], $0x8000, $0x38;
	[tilespmem:$0x18080] =	vst v63  }
0x1a: {  	s14 =	spop (v2sf)  }
0x1b: {  	[dreg:$0x4] =	wrdreg s14  }
0x1c: {  	_ =	swait.ge [sflag:s11], $0x8000  }
0x1d: {  	[sflag:s11] =	ssyncset.done $0x0  }
0x1e: {  	[sflag:s11] =	ssyncadd.s32 $0xFFFF8000  }
0x1f: {  	_ =	swait.ge [sflag:s11], $0x8000  }
0x20: {  	s16 =	sand.u32 $0x3F, s2;
	s30 =	rddreg [dreg:$0x3]  }
0x21: {  	s15 =	rddreg [dreg:$0x4];
	s16 =	sor.u32 s30, s16  }
0x22: {  	s14 =	ssub.s32 s15, s16  }
0x23: {  	p0 =	sgt.s32 s14, $0xFFFFF781  }
0x24: {  	s14 =	simm.s32 @!p0 $0xFFFFF781  }
0x25: {  	p0 =	slt.s32 s14, $0x80  }
0x26: {  	s14 =	simm.s32 @!p0 $0x80  }
0x27: {  	s14 =	sadd.s32 $0x87F, s14  }
0x28: {  	s17 =	sand.u32 $0x600, s2;
	s31 =	sand.u32 $0xFFFFFF80, s14  }
0x29: {  	s15 =	sadd.s32 s17, s31  }
0x2a: {  	p0 =	sgt.u32 s15, $0x580  }
0x2b: {  	p2 =	slt.u32 @p0 s15, $0x900  }
0x2c: {  	s14 =	sand.u32 $0x7F, s14;
	p1 =	por !p2, !p0  }
0x2d: {  	[sflag:s11] =	ssyncset.done $0x0;
	s20 =	rddreg [dreg:$0x5];
	s18 =	smul.u32 @!p1 $0x12000, s14  }
0x2e: {  	[sflag:s11] =	ssyncadd.s32 $0xFFFF8000;
	s19 =	sadd.s32 $0xFFFFF700, s15;
	s21 =	sshll.u32 @!p0 s16, $0xE  }
0x2f: {  	p3 =	slt.u32 s19, $0xFFFFFC81;
	p2 =	por p2, !p0;
	s18 =	sadd.s32 @!p1 $0xFFFFD000, s18  }
0x30: {  	s14 =	simm.s32 $0x1;
	s19 =	sshll.u32 @!p1 s16, $0xE;
	s18 =	sshrl.u32 @!p1 s18, $0x3  }
0x31: {  	s22 =	sadd.s32 @!p1 s1, s17;
	s16 =	sshll.u32 @!p2 s16, $0xE;
	s15 =	sadd.s32 @!p1 s15, s18  }
0x32: {  	s19 =	sadd.s32 @!p1 s19, s22;
	s22 =	simm.s32 @!p1 $0x2400;
	s15 =	sand.u32 @!p1 $0x1FFFFF80, s15  }
0x33: {  	s18 =	simm.s32 @!p1 $0x10000;
	s15 =	sadd.s32 @!p1 s20, s15;
	s20 =	simm.s32 @!p1 $0x1000  }
0x34: {  	[tilespmem:s18], [sflag:$0x3] =	stream.strided.gather @!p1 [hbm4b:s15+s20], $0x8000, s22, s20, $0x38;
	[tilespmem:$0x18080] =	vst v63  }
0x35: {  	s23 =	simm.s32 @!p1 $0x3;
	s15 =	sadd.s32 @!p2 s1, s17;
	s22 =	simm.s32 $0x1  }
0x36: {  	s15 =	sadd.s32 @!p2 s16, s15;
	s22 =	simm.s32 @!p3 $0x0;
	_ =	swait.ge @!p1 [sflag:s23], $0x8000  }
0x37: {  	s16 =	sadd.s32 @!p0 s1, s17;
	s17 =	simm.s32 @!p1 $0x4000;
	[sflag:s23] =	ssyncset.done @!p1 $0x0  }
0x38: {  	s22 =	sadd.s32 $0x0, s22;
	s16 =	sadd.s32 @!p0 s21, s16;
	[sflag:s23] =	ssyncadd.s32 @!p1 $0xFFFF8000  }
0x39: {  	[hbm4b:s19+s20] =	stream.strided.scatter @!p1 [tilespmem:s18], [sflag:$0x3], $0x8000, s17, s20, $0x38;
	[tilespmem:$0x18080] =	vst v63  }
0x3a: {  	s21 =	simm.s32 @!p2 $0x4000;
	p3 =	sgt.s32 s22, $0x17;
	_ =	swait.ge @!p1 [sflag:s23], $0x8000  }
0x3b: {  	s19 =	simm.s32 $0x1;
	s17 =	simm.s32 @!p2 $0x8000;
	[sflag:s23] =	ssyncset.done @!p1 $0x0  }
0x3c: {  	s18 =	simm.s32 @!p0 $0x0;
	s20 =	simm.s32 @!p2 $0x1000;
	[sflag:s23] =	ssyncadd.s32 @!p1 $0xFFFF8000  }
0x3d: {  	[hbm4b:s15+s20] =	stream.strided.scatter @!p2 [tilespmem:s17], [sflag:$0x2], $0x8000, s21, s20, $0x38;
	[tilespmem:$0x18080] =	vst v63  }
0x3e: {  	s15 =	simm.s32 @!p0 $0x1000;
	s17 =	simm.s32 @!p0 $0x4000;
	p2 =	slt.s32 s22, $0x18  }
0x3f: {  	[hbm4b:s16+s15] =	stream.strided.scatter @!p0 [tilespmem:s18], [sflag:$0x2], $0x8000, s17, s15, $0x38;
	[tilespmem:$0x18080] =	vst v63  }
0x40: {  	s19 =	simm.s32 @!p3 $0x0;
	s17 =	simm.s32 $0x2;
	s18 =	simm.s32 @!p2 $0x2  }
0x41: {  	s15 =	ssub.s32 s22, s19;
	s16 =	simm.s32 $0x8;
	_ =	swait.ge @!p2 [sflag:s18], $0x8000  }
.LBB2_2:
0x42: {  	s19 =	rddreg [dreg:$0x3];
	[sflag:s18] =	ssyncset.done @!p2 $0x0;
	s30 =	sand.u32 $0x3F, s14  }
0x43: {  	s21 =	rddreg [dreg:$0x4];
	[sflag:s18] =	ssyncadd.s32 @!p2 $0xFFFF8000;
	s18 =	sor.u32 s19, s30  }
0x44: {  	s19 =	ssub.s32 s21, s18  }
0x45: {  	p1 =	sgt.s32 s19, $0xFFFFF781  }
0x46: {  	s19 =	simm.s32 @!p1 $0xFFFFF781  }
0x47: {  	p1 =	slt.s32 s19, $0x80  }
0x48: {  	s19 =	simm.s32 @!p1 $0x80  }
0x49: {  	s19 =	sadd.s32 $0x87F, s19  }
0x4a: {  	s20 =	smov.u32 s17;
	s21 =	sand.u32 $0x600, s16;
	s31 =	sand.u32 $0xFFFFFF80, s19  }
0x4b: {  	s14 =	smov.u32 s20;
	s20 =	sadd.s32 s21, s31  }
0x4c: {  	s23 =	rddreg [dreg:$0x5];
	s19 =	sand.u32 $0x7F, s19;
	p1 =	sgt.u32 s20, $0x580  }
0x4d: {  	s22 =	sadd.s32 $0xFFFFF700, s20;
	p2 =	slt.u32 @p1 s20, $0x900;
	s24 =	sshll.u32 @!p1 s18, $0xE  }
0x4e: {  	p4 =	slt.u32 s22, $0xFFFFFC81;
	p3 =	por !p2, !p1;
	p2 =	por p2, !p1  }
0x4f: {  	s19 =	smul.u32 @!p3 $0x12000, s19;
	s22 =	sshll.u32 @!p3 s18, $0xE;
	s25 =	sadd.s32 @!p3 s1, s21  }
0x50: {  	s18 =	sshll.u32 @!p2 s18, $0xE;
	s22 =	sadd.s32 @!p3 s22, s25;
	s25 =	sadd.s32 @!p2 s1, s21  }
0x51: {  	s19 =	sadd.s32 @!p3 $0xFFFFD000, s19;
	s18 =	sadd.s32 @!p2 s18, s25;
	s25 =	simm.s32 $0x1  }
0x52: {  	s21 =	sadd.s32 @!p1 s1, s21;
	s25 =	simm.s32 @!p4 $0x0;
	s19 =	sshrl.u32 @!p3 s19, $0x3  }
0x53: {  	s25 =	sadd.s32 s25, s15;
	s15 =	sadd.s32 @!p3 s20, s19;
	s19 =	sadd.s32 @!p1 s24, s21  }
0x54: {  	s20 =	simm.s32 @!p3 $0x10000;
	s21 =	simm.s32 @!p3 $0x3;
	s15 =	sand.u32 @!p3 $0x1FFFFF80, s15  }
0x55: {  	s24 =	simm.s32 @!p3 $0x2400;
	s15 =	sadd.s32 @!p3 s23, s15;
	s23 =	simm.s32 @!p3 $0x1000  }
0x56: {  	[tilespmem:s20], [sflag:$0x3] =	stream.strided.gather @!p3 [hbm4b:s15+s23], $0x8000, s24, s23, $0x38;
	[tilespmem:$0x18080] =	vst v63  }
0x57: {  	_ =	swait.ge @!p3 [sflag:s21], $0x8000  }
0x58: {  	[sflag:s21] =	ssyncset.done @!p3 $0x0  }
0x59: {  	s17 =	sadd.s32 $0x1, s17;
	s24 =	simm.s32 @!p3 $0x4000;
	[sflag:s21] =	ssyncadd.s32 @!p3 $0xFFFF8000  }
0x5a: {  	[hbm4b:s22+s23] =	stream.strided.scatter @!p3 [tilespmem:s20], [sflag:$0x3], $0x8000, s24, s23, $0x38;
	[tilespmem:$0x18080] =	vst v63  }
0x5b: {  	p0 =	seq.s32 s17, $0x100;
	_ =	swait.ge @!p3 [sflag:s21], $0x8000  }
0x5c: {  	p4 =	sgt.s32 s25, $0x17;
	s20 =	simm.s32 @!p2 $0x8000;
	[sflag:s21] =	ssyncset.done @!p3 $0x0  }
0x5d: {  	s23 =	simm.s32 @!p2 $0x4000;
	[sflag:s21] =	ssyncadd.s32 @!p3 $0xFFFF8000;
	s21 =	simm.s32 @!p2 $0x1000  }
0x5e: {  	[hbm4b:s18+s21] =	stream.strided.scatter @!p2 [tilespmem:s20], [sflag:$0x2], $0x8000, s23, s21, $0x38;
	[tilespmem:$0x18080] =	vst v63  }
.Ltmp2:
0x5f: {  	s15 =	simm.s32 $0x1;
	s22 =	simm.s32 @!p1 $0x0;
	(pc) =	sbr.rel @!p0 .LBB2_2-.Ltmp2, $4  }
0x60: {  	s18 =	simm.s32 @!p1 $0x1000;
	s20 =	simm.s32 @!p1 $0x4000;
	p2 =	slt.s32 s25, $0x18  }
0x61: {  	[hbm4b:s19+s18] =	stream.strided.scatter @!p1 [tilespmem:s22], [sflag:$0x2], $0x8000, s20, s18, $0x38;
	[tilespmem:$0x18080] =	vst v63  }
0x62: {  	s15 =	simm.s32 @!p4 $0x0;
	s18 =	simm.s32 @!p2 $0x2  }
0x63: {  	s16 =	sadd.s32 $0x8, s16;
	s15 =	ssub.s32 s25, s15;
	_ =	swait.ge @!p2 [sflag:s18], $0x8000  }
0x64: {  	s17 =	rddreg [dreg:$0x3];
	s14 =	sand.u32 $0x3F, s14  }
0x65: {  	s19 =	rddreg [dreg:$0x4];
	s14 =	sor.u32 s17, s14  }
0x66: {  	s17 =	ssub.s32 s19, s14  }
0x67: {  	p0 =	sgt.s32 s17, $0xFFFFF781  }
0x68: {  	s17 =	simm.s32 @!p0 $0xFFFFF781  }
0x69: {  	p0 =	slt.s32 s17, $0x80  }
0x6a: {  	s17 =	simm.s32 @!p0 $0x80  }
0x6b: {  	s17 =	sadd.s32 $0x87F, s17  }
0x6c: {  	s16 =	sand.u32 $0x600, s16;
	s30 =	sand.u32 $0xFFFFFF80, s17  }
0x6d: {  	s19 =	sadd.s32 s16, s30  }
0x6e: {  	p0 =	sgt.u32 s19, $0x580  }
0x6f: {  	p3 =	slt.u32 @p0 s19, $0x900  }
0x70: {  	s17 =	sand.u32 $0x7F, s17;
	p1 =	por !p3, !p0  }
0x71: {  	s17 =	smul.u32 @!p1 $0x12000, s17;
	_ =	sdelay $0x1  }
0x72: {  	s17 =	sadd.s32 @!p1 $0xFFFFD000, s17  }
0x73: {  	s17 =	sshrl.u32 @!p1 s17, $0x3  }
0x74: {  	s20 =	rddreg [dreg:$0x5];
	[sflag:s18] =	ssyncset.done @!p2 $0x0;
	s17 =	sadd.s32 @!p1 s19, s17  }
0x75: {  	[sflag:s18] =	ssyncadd.s32 @!p2 $0xFFFF8000;
	s18 =	simm.s32 @!p1 $0x10000;
	s17 =	sand.u32 @!p1 $0x1FFFFF80, s17  }
0x76: {  	s21 =	simm.s32 @!p1 $0x2400;
	s17 =	sadd.s32 @!p1 s20, s17;
	s20 =	simm.s32 @!p1 $0x1000  }
0x77: {  	[tilespmem:s18], [sflag:$0x3] =	stream.strided.gather @!p1 [hbm4b:s17+s20], $0x8000, s21, s20, $0x38;
	[tilespmem:$0x18080] =	vst v63  }
0x78: {  	s31 =	sadd.s32 $0xFFFFF700, s19;
	s21 =	simm.s32 @!p1 $0x3  }
0x79: {  	p4 =	slt.u32 s31, $0xFFFFFC81;
	p2 =	por p3, !p0;
	_ =	swait.ge @!p1 [sflag:s21], $0x8000  }
0x7a: {  	s22 =	sadd.s32 @!p1 s1, s16;
	s17 =	sshll.u32 @!p1 s14, $0xE;
	[sflag:s21] =	ssyncset.done @!p1 $0x0  }
0x7b: {  	s17 =	sadd.s32 @!p1 s17, s22;
	s22 =	simm.s32 @!p1 $0x4000;
	[sflag:s21] =	ssyncadd.s32 @!p1 $0xFFFF8000  }
0x7c: {  	[hbm4b:s17+s20] =	stream.strided.scatter @!p1 [tilespmem:s18], [sflag:$0x3], $0x8000, s22, s20, $0x38;
	[tilespmem:$0x18080] =	vst v63  }
0x7d: {  	s19 =	sshll.u32 @!p0 s14, $0xE;
	s14 =	sshll.u32 @!p2 s14, $0xE;
	s17 =	sadd.s32 @!p2 s1, s16  }
0x7e: {  	s18 =	simm.s32 $0x1;
	s16 =	sadd.s32 @!p0 s1, s16;
	s20 =	simm.s32 @!p2 $0x4000  }
0x7f: {  	s14 =	sadd.s32 @!p2 s14, s17;
	s18 =	simm.s32 @!p4 $0x0;
	_ =	swait.ge @!p1 [sflag:s21], $0x8000  }
0x80: {  	s16 =	sadd.s32 @!p0 s19, s16;
	s17 =	simm.s32 @!p2 $0x8000;
	[sflag:s21] =	ssyncset.done @!p1 $0x0  }
0x81: {  	s19 =	simm.s32 @!p2 $0x1000;
	s15 =	sadd.s32 s18, s15;
	[sflag:s21] =	ssyncadd.s32 @!p1 $0xFFFF8000  }
0x82: {  	[hbm4b:s14+s19] =	stream.strided.scatter @!p2 [tilespmem:s17], [sflag:$0x2], $0x8000, s20, s19, $0x38;
	[tilespmem:$0x18080] =	vst v63  }
0x83: {  	s18 =	simm.s32 @!p0 $0x0;
	s14 =	simm.s32 @!p0 $0x1000;
	s17 =	simm.s32 @!p0 $0x4000  }
0x84: {  	[hbm4b:s16+s14] =	stream.strided.scatter @!p0 [tilespmem:s18], [sflag:$0x2], $0x8000, s17, s14, $0x38;
	[tilespmem:$0x18080] =	vst v63  }
0x85: {  	p0 =	sgt.s32 s15, $0x17;
	s14 =	simm.s32 $0x1  }
0x86: {  	s14 =	simm.s32 @!p0 $0x0  }
0x87: {  	s14 =	ssub.s32 s15, s14  }
0x88: {  	p0 =	sgt.s32 s14, $0x0  }
.Ltmp3:
0x89: {  	p1 =	slt.s32 s15, $0x18;
	(pc) =	sbr.rel @!p0 .LBB2_7-.Ltmp3, $4  }
0x8a: {  	s16 =	simm.s32 @!p1 $0x2  }
0x8b: {  	_ =	swait.ge @!p1 [sflag:s16], $0x8000  }
0x8c: {  	[sflag:s16] =	ssyncset.done @!p1 $0x0  }
0x8d: {  	s15 =	simm.s32 $0x0;
	[sflag:s16] =	ssyncadd.s32 @!p1 $0xFFFF8000  }
0x8e: {  	s15 =	sadd.s32 $0x1, s15  }
0x8f: {  	p0 =	slt.s32 s15, s14  }
.Ltmp4:
0x90: {  	_ = 	snop;
	(pc) =	sbr.rel @!p0 .LBB2_6-.Ltmp4, $3  }
0x91: {  	_ =	sdelay $0x1  }
0x92: {  	_ =	swait.ge [sflag:s12], $0x8000  }
0x93: {  	[sflag:s12] =	ssyncset.done $0x0  }
.LBB2_5:
0x94: {  	s15 =	sadd.s32 $0x1, s15  }
0x95: {  	[sflag:s12] =	ssyncadd.s32 $0xFFFF8000;
	p0 =	slt.s32 s15, s14  }
.Ltmp5:
0x96: {  	(pc) =	sbr.rel @p0 .LBB2_5-.Ltmp5, $3  }
0x97: {  	_ =	sdelay $0x1  }
0x98: {  	_ =	swait.ge [sflag:s12], $0x8000  }
0x99: {  	[sflag:s12] =	ssyncset.done $0x0  }
.Ltmp6:
0x9a: {  	_ = 	snop;
	(pc) =	sbr.rel .LBB2_6-.Ltmp6, $1  }
0x9b: {  	_ =	sdelay $0x3  }
.LBB2_8:
0x9c: {  	_ =	sfence.sel $0x180000  }
0x9d: {  	[bflag:$0x0] =	sbarrier.arrive $0xFFFF  }
0x9e: {  	p0 =	sne.s32 s3, $0x0;
	_ =	strace $0x90000047  }
0x9f: {  	s0 =	sadd.s32 @!p0 $0x100000, s0;
	[bflag:$0x2] =	sbarrier.arrive $0xFFFF  }
0xa0: {  	[sflag:s0] =	ssyncadd.tile.s32 @!p0 $0x1;
	_ =	shalt  }
.Lfunc_end2:
_tile_overlayer_lowered:
.L_overlay_start_2:
0xa1: {  	(tag) =	ssettag $0x2  }
0xa2: {  	s0 =	rddreg [dreg:$0x0];
	s2 =	stileid.u32  }
0xa3: {  	s1 =	rddreg [dreg:$0x1];
	p0 =	sne.s32 s2, $0x0  }
0xa4: {  	s3 =	rddreg [dreg:$0x2];
	[bflag:$0x3] =	sbarrier.arrive $0xFFFF;
	s2 =	simm.s32 @!p0 $0x1C03  }
0xa5: {  	[timem:s3], [sflag:s2] =	dma.local @!p0 [hbm:s0], s1  }
0xa6: {  	s0 =	simm.s32 @!p0 $0x3  }
0xa7: {  	_ =	swait.ge @!p0 [sflag:s0], s1  }
0xa8: {  	s1 =	ssub.s32 @!p0 $0x0, s1;
	[sflag:s0] =	ssyncset.done @!p0 $0x0  }
0xa9: {  	[sflag:s0] =	ssyncadd.s32 @!p0 s1  }
0xaa: {  	[bflag:$0x3] =	sbarrier.arrive $0xFFFF  }
0xab: {  	_ =	shalt  }

</sc_bundles>
